<compile_context>
chip_gen: v7x
topology: tpu7x:2x2x1
jax: 0.10.2.dev20260603
libtpu: 0.0.44.dev20260713+nightly
codegen_flags: <defaults>
</compile_context>

<pallas_src>
import functools

import jax
import jax.numpy as jnp
from jax import lax
from jax.experimental import pallas as pl
from jax.experimental.pallas import tpu as pltpu
from jax.experimental.pallas import tpu_sc as plsc

N = 100000
D = 128
B = 256
C = 10
R = 2000
NSUB = 5
RB = R * NSUB
K = N // RB
W = 32
BP = B + W
SP = 384

CH = 80
NCHUNKS = N // CH
NW = 32
NBUF = 4

F32 = jnp.float32

NFULL = NCHUNKS // NW
NEXTRA = NCHUNKS % NW


def _sc_pooled_body(x_hbm, ids_hbm, zeros_hbm, out_hbm, *refs):
    xvs = [refs[2 * b] for b in range(NBUF)]
    ivs = [refs[2 * b + 1] for b in range(NBUF)]
    acc_sh = refs[2 * NBUF]
    base_s = 2 * NBUF + 1
    semx = refs[base_s: base_s + NBUF]
    semi = refs[base_s + NBUF: base_s + 2 * NBUF]
    sems = refs[base_s + 2 * NBUF: base_s + 3 * NBUF]

    cid = lax.axis_index("c")
    sid = lax.axis_index("s")
    wid = sid * 2 + cid

    @pl.when(sid == 0)
    def _():
        pltpu.sync_copy(zeros_hbm, acc_sh)

    plsc.subcore_barrier()

    def start_in(j, b):
        r0 = (wid + j * NW) * CH
        pltpu.async_copy(x_hbm.at[pl.ds(r0, CH)], xvs[b], semx[b])
        pltpu.async_copy(ids_hbm.at[pl.ds(r0, CH)], ivs[b], semi[b])

    def wait_in(b):
        pltpu.make_async_copy(x_hbm.at[pl.ds(0, CH)], xvs[b], semx[b]).wait()
        pltpu.make_async_copy(ids_hbm.at[pl.ds(0, CH)], ivs[b], semi[b]).wait()

    def scatter_start(b):
        pltpu.async_copy(xvs[b], acc_sh.at[ivs[b]], sems[b], add=True)

    def scatter_wait(b):
        pltpu.make_async_copy(xvs[b], acc_sh.at[ivs[b]], sems[b]).wait()

    for b in range(NBUF - 1):
        start_in(b, b)

    def body(i, carry):
        for jj in range(NBUF):
            j = NBUF * i + jj
            wait_in(jj)
            scatter_start(jj)

            @pl.when(j >= 1)
            def _():
                scatter_wait((jj - 1) % NBUF)

            start_in(j + NBUF - 1, (jj + NBUF - 1) % NBUF)
        return carry

    nloops = (NFULL - (NBUF - 1)) // NBUF
    lax.fori_loop(0, nloops, body, 0)
    for jj in range(NBUF * nloops, NFULL):
        b = jj % NBUF
        wait_in(b)
        scatter_start(b)
        scatter_wait((b - 1) % NBUF)
    scatter_wait((NFULL - 1) % NBUF)

    @pl.when(wid < NEXTRA)
    def _():
        r0 = (NW * NFULL + wid) * CH
        pltpu.sync_copy(x_hbm.at[pl.ds(r0, CH)], xvs[0])
        pltpu.sync_copy(ids_hbm.at[pl.ds(r0, CH)], ivs[0])
        pltpu.sync_copy(xvs[0], acc_sh.at[ivs[0]], add=True)

    plsc.subcore_barrier()

    @pl.when(sid == 0)
    def _():
        pltpu.sync_copy(acc_sh, out_hbm.at[cid])


assert NFULL % NBUF == NBUF - 1


@functools.cache
def _get_sc_pooled():
    return functools.partial(
        pl.kernel,
        out_type=jax.ShapeDtypeStruct((2, BP, D), F32),
        mesh=plsc.VectorSubcoreMesh(core_axis_name="c",
                                    subcore_axis_name="s"),
        scratch_types=(
            [pltpu.VMEM((CH, D), F32), pltpu.VMEM((CH,), jnp.int32)] * NBUF
            + [pltpu.VMEM_SHARED((BP, D), F32)]
            + [pltpu.SemaphoreType.DMA] * (3 * NBUF)
        ),
    )(_sc_pooled_body)


def _tc_body(lo_ref, hi_ref, x_ref, scol_ref, pooled2_ref,
             Wh0_ref, bh0_ref, Wh1_ref, bh1_ref, Wh2_ref, bh2_ref,
             Wt0_ref, bt0_ref, Wt1_ref, bt1_ref,
             out_ref, p2_scr, o_scr):
    k = pl.program_id(0)

    @pl.when(k == 0)
    def _():
        pooled = pooled2_ref[0] + pooled2_ref[1]
        p2_scr[...] = jnp.dot(pooled, Wt0_ref[D:, :],
                              preferred_element_type=F32) + bt0_ref[...]
        o_scr[...] = jnp.zeros_like(o_scr)

    for h in range(NSUB):
        sb = k * NSUB + h
        row0 = k * RB + h * R
        xb = x_ref[pl.ds(h * R, R), :]
        h0 = jnp.maximum(jnp.dot(xb, Wh0_ref[...],
                                 preferred_element_type=F32)
                         + bh0_ref[...], 0.0)
        h1 = jnp.maximum(jnp.dot(h0, Wh1_ref[...],
                                 preferred_element_type=F32)
                         + bh1_ref[...], 0.0)
        hv = jnp.dot(h1, Wh2_ref[...], preferred_element_type=F32) \
            + bh2_ref[...]
        hrow = jnp.swapaxes(hv, 0, 1)

        u = jnp.dot(xb, Wt0_ref[:D, :], preferred_element_type=F32)

        lo = lo_ref[sb]
        hi = hi_ref[sb]
        nch = (hi - lo) // W + 1
        riota = row0 + lax.broadcasted_iota(jnp.int32, (R, 1), 0)
        ciota = row0 + lax.broadcasted_iota(jnp.int32, (1, R), 1)

        def g_chunk(c, g, riota=riota, lo=lo):
            base = lo + c * W
            srow = jnp.swapaxes(scol_ref[pl.ds(base, W), :], 0, 1)
            erow = jnp.swapaxes(scol_ref[pl.ds(base + 1, W), :], 0, 1)
            oh = ((riota >= srow) & (riota < erow)).astype(F32)
            return g + jnp.dot(oh, p2_scr[pl.ds(base, W), :],
                               preferred_element_type=F32)

        g = lax.fori_loop(0, nch, g_chunk, u)
        t = jnp.maximum(g, 0.0)
        theta = jnp.dot(t, Wt1_ref[...], preferred_element_type=F32) \
            + bt1_ref[...]

        def s_chunk(c, carry, ciota=ciota, lo=lo, theta=theta, hrow=hrow):
            base = lo + c * W
            scol = scol_ref[pl.ds(base, W), :]
            ecol = scol_ref[pl.ds(base + 1, W), :]
            ohT = jnp.where((ciota >= scol) & (ciota < ecol), hrow, 0.0)
            o_scr[pl.ds(base, W), :] += jnp.dot(ohT, theta,
                                                preferred_element_type=F32)
            return carry

        lax.fori_loop(0, nch, s_chunk, 0)

    @pl.when(k == K - 1)
    def _():
        out_ref[...] = o_scr[0:B, :]


@jax.jit
def kernel(x, batch, Wh0, bh0, Wh1, bh1, Wh2, bh2, Wt0, bt0, Wt1, bt1):
    ids = batch.astype(jnp.int32)
    lo = ids[::R]
    hi = ids[R - 1::R]

    starts = jnp.searchsorted(ids, jnp.arange(B + 1, dtype=jnp.int32),
                              side="left").astype(jnp.int32)
    scol = jnp.concatenate(
        [starts, jnp.full((SP - (B + 1),), N, jnp.int32)]).reshape(SP, 1)

    pooled2 = _get_sc_pooled()(x, ids, jnp.zeros((BP, D), F32))

    row_spec = pl.BlockSpec((RB, D), lambda i, lo, hi: (i, 0))
    full = lambda a: pl.BlockSpec(a.shape, lambda i, lo, hi: (0,) * a.ndim)

    grid = pltpu.PrefetchScalarGridSpec(
        num_scalar_prefetch=2,
        grid=(K,),
        in_specs=[row_spec, full(scol), full(pooled2),
                  full(Wh0), full(bh0), full(Wh1), full(bh1), full(Wh2),
                  full(bh2), full(Wt0), full(bt0), full(Wt1), full(bt1)],
        out_specs=[pl.BlockSpec((B, C), lambda i, lo, hi: (0, 0))],
        scratch_shapes=[pltpu.VMEM((BP, D), F32),
                        pltpu.VMEM((BP, C), F32)],
    )
    out = pl.pallas_call(
        _tc_body,
        grid_spec=grid,
        out_shape=[jax.ShapeDtypeStruct((B, C), F32)],
    )(lo, hi, x, scol, pooled2,
      Wh0, bh0, Wh1, bh1, Wh2, bh2, Wt0, bt0, Wt1, bt1)[0]
    return out

# --- scband reference (transcript-rebuilt; emitter-appended) ---
"""Pipeline reference for scband-graph-sennpool-704374636971 (READ-ONLY COPY).

The authoritative reference and input builder live on the scoring server;
editing this copy changes nothing except your own understanding.
"""

import jax, jax.numpy as jnp
import numpy as np

N = 100000
D = 128
B = 256
C = 10

def setup_inputs(seed: int = 0) -> dict:
    key = jax.random.key(seed)
    ks = jax.random.split(key, 8)
    s = 0.05
    x = jax.random.normal(ks[0], (N, D), dtype=jnp.float32)
    batch = jnp.sort(jax.random.randint(ks[1], (N,), 0, B)).astype(jnp.int64)
    # h network (note faithful duplication: sizes [D, D, 64, 1] due to [input_dim]+h_sizes applied twice)
    Wh0 = jax.random.normal(ks[2], (D, D), jnp.float32) * s
    bh0 = jnp.zeros((D,), jnp.float32)
    Wh1 = jax.random.normal(ks[3], (D, 64), jnp.float32) * s
    bh1 = jnp.zeros((64,), jnp.float32)
    Wh2 = jax.random.normal(ks[4], (64, 1), jnp.float32) * s
    bh2 = jnp.zeros((1,), jnp.float32)
    # theta network: global_theta -> input 2*D, sizes [2D, 128, C]
    Wt0 = jax.random.normal(ks[5], (2 * D, 128), jnp.float32) * s
    bt0 = jnp.zeros((128,), jnp.float32)
    Wt1 = jax.random.normal(ks[6], (128, C), jnp.float32) * s
    bt1 = jnp.zeros((C,), jnp.float32)
    return {"x": x, "batch": batch, "Wh0": Wh0, "bh0": bh0, "Wh1": Wh1, "bh1": bh1,
            "Wh2": Wh2, "bh2": bh2, "Wt0": Wt0, "bt0": bt0, "Wt1": Wt1, "bt1": bt1}

def reference(x, batch, Wh0, bh0, Wh1, bh1, Wh2, bh2, Wt0, bt0, Wt1, bt1):
    # h MLP: Linear(D,D)+ReLU, Linear(D,64)+ReLU, Linear(64,1)
    h = jax.nn.relu(x @ Wh0 + bh0)
    h = jax.nn.relu(h @ Wh1 + bh1)
    h = h @ Wh2 + bh2  # [N, 1]
    # global theta: pool x per graph, gather back, concat
    pooled = jax.ops.segment_sum(x, batch, num_segments=B)  # [B, D]
    pooled_per_node = pooled[batch, :]  # [N, D]
    t = jnp.concatenate((x, pooled_per_node), axis=-1)  # [N, 2D]
    t = jax.nn.relu(t @ Wt0 + bt0)
    theta = t @ Wt1 + bt1  # [N, C]
    out = jax.ops.segment_sum(h * theta, batch, num_segments=B)  # [B, C]
    return out

if __name__ == "__main__":
    import jax
    _d = setup_inputs()
    print(jax.jit(kernel)(*tuple(_d.values())))

</pallas_src>

<mosaic_0001>
#map = affine_map<(d0, d1) -> (0, 0)>
#map1 = affine_map<(d0, d1) -> (0)>
#map2 = affine_map<(d0, d1) -> (0, 0, 0)>
module attributes {stable_mosaic.version = 14 : i64} {
  func.func @_sc_pooled_body(%arg0: i32, %arg1: i32, %arg2: memref<100000x128xf32, #tpu.memory_space<hbm>>, %arg3: memref<100000xi32, #tpu.memory_space<hbm>>, %arg4: memref<288x128xf32, #tpu.memory_space<hbm>>, %arg5: memref<2x288x128xf32, #tpu.memory_space<hbm>>, %arg6: memref<80x128xf32, #tpu.memory_space<vmem>>, %arg7: memref<80xi32, #tpu.memory_space<vmem>>, %arg8: memref<80x128xf32, #tpu.memory_space<vmem>>, %arg9: memref<80xi32, #tpu.memory_space<vmem>>, %arg10: memref<80x128xf32, #tpu.memory_space<vmem>>, %arg11: memref<80xi32, #tpu.memory_space<vmem>>, %arg12: memref<80x128xf32, #tpu.memory_space<vmem>>, %arg13: memref<80xi32, #tpu.memory_space<vmem>>, %arg14: memref<288x128xf32, #tpu.memory_space<vmem_shared>>, %arg15: memref<!tpu.dma_semaphore, #tpu.memory_space<semaphore_mem>>, %arg16: memref<!tpu.dma_semaphore, #tpu.memory_space<semaphore_mem>>, %arg17: memref<!tpu.dma_semaphore, #tpu.memory_space<semaphore_mem>>, %arg18: memref<!tpu.dma_semaphore, #tpu.memory_space<semaphore_mem>>, %arg19: memref<!tpu.dma_semaphore, #tpu.memory_space<semaphore_mem>>, %arg20: memref<!tpu.dma_semaphore, #tpu.memory_space<semaphore_mem>>, %arg21: memref<!tpu.dma_semaphore, #tpu.memory_space<semaphore_mem>>, %arg22: memref<!tpu.dma_semaphore, #tpu.memory_space<semaphore_mem>>, %arg23: memref<!tpu.dma_semaphore, #tpu.memory_space<semaphore_mem>>, %arg24: memref<!tpu.dma_semaphore, #tpu.memory_space<semaphore_mem>>, %arg25: memref<!tpu.dma_semaphore, #tpu.memory_space<semaphore_mem>>, %arg26: memref<!tpu.dma_semaphore, #tpu.memory_space<semaphore_mem>>) attributes {dimension_semantics = [#tpu.dimension_semantics<core_parallel>, #tpu.dimension_semantics<subcore_parallel>], iteration_bounds = array<i64: 2, 16>, scalar_prefetch = 0 : i64, scratch_operands = 21 : i64, tpu.core_type = #tpu.core_type<sc_vector_subcore>, window_params = [{transform_indices = #map}, {transform_indices = #map1}, {transform_indices = #map}, {transform_indices = #map2}]} {
    %mul3A = arith.constant 2 : i32
    %mul3A_0 = arith.muli %arg1, %mul3A : i32
    %add3A = arith.addi %mul3A_0, %arg0 : i32
    %eq3A = arith.constant 0 : i32
    %eq3A_1 = arith.cmpi eq, %arg1, %eq3A : i32
    %convert_element_type3A = arith.extui %eq3A_1 : i1 to i32
    %cond3A = arith.constant 0 : i32
    %cond3A_2 = arith.cmpi ne, %convert_element_type3A, %cond3A : i32
    scf.if %cond3A_2 {
      "tpu.region"() ({
        %run_scoped3A = tpu.sem_alloc : memref<!tpu.dma_semaphore, #tpu.memory_space<semaphore_mem>>
        tpu.enqueue_dma source(%arg4 : memref<288x128xf32, #tpu.memory_space<hbm>>) target(%arg14 : memref<288x128xf32, #tpu.memory_space<vmem_shared>>) target_semaphore(%run_scoped3A : memref<!tpu.dma_semaphore, #tpu.memory_space<semaphore_mem>>)
        tpu.wait_dma2 semaphore(%run_scoped3A : memref<!tpu.dma_semaphore, #tpu.memory_space<semaphore_mem>>) src(%arg4 : memref<288x128xf32, #tpu.memory_space<hbm>>) dst(%arg14 : memref<288x128xf32, #tpu.memory_space<vmem_shared>>)
        tpu.yield
      }) : () -> ()
    } else {
    }
    %barrier3A = arith.constant 0 : index
    tpu.barrier barrier_id(%barrier3A)
    %add3A_3 = arith.constant 0 : i32
    %add3A_4 = arith.addi %add3A, %add3A_3 : i32
    %mul3A_5 = arith.constant 80 : i32
    %mul3A_6 = arith.muli %add3A_4, %mul3A_5 : i32
    %dma_start3A = arith.constant 0 : i32
    %dma_start3A_7 = tpu.memref_slice %arg2[%mul3A_6, %dma_start3A] : memref<100000x128xf32, #tpu.memory_space<hbm>> -> memref<80x128xf32, #tpu.memory_space<hbm>>
    %dma_start3A_8 = arith.constant 0 : i32
    %dma_start3A_9 = tpu.memref_slice %arg2[%mul3A_6, %dma_start3A_8] : memref<100000x128xf32, #tpu.memory_space<hbm>> -> memref<80x128xf32, #tpu.memory_space<hbm>>
    tpu.enqueue_dma source(%dma_start3A_9 : memref<80x128xf32, #tpu.memory_space<hbm>>) target(%arg6 : memref<80x128xf32, #tpu.memory_space<vmem>>) target_semaphore(%arg15 : memref<!tpu.dma_semaphore, #tpu.memory_space<semaphore_mem>>)
    %dma_start3A_10 = tpu.memref_slice %arg3[%mul3A_6] : memref<100000xi32, #tpu.memory_space<hbm>> -> memref<80xi32, #tpu.memory_space<hbm>>
    %dma_start3A_11 = tpu.memref_slice %arg3[%mul3A_6] : memref<100000xi32, #tpu.memory_space<hbm>> -> memref<80xi32, #tpu.memory_space<hbm>>
    tpu.enqueue_dma source(%dma_start3A_11 : memref<80xi32, #tpu.memory_space<hbm>>) target(%arg7 : memref<80xi32, #tpu.memory_space<vmem>>) target_semaphore(%arg19 : memref<!tpu.dma_semaphore, #tpu.memory_space<semaphore_mem>>)
    %add3A_12 = arith.constant 32 : i32
    %add3A_13 = arith.addi %add3A, %add3A_12 : i32
    %mul3A_14 = arith.constant 80 : i32
    %mul3A_15 = arith.muli %add3A_13, %mul3A_14 : i32
    %dma_start3A_16 = arith.constant 0 : i32
    %dma_start3A_17 = tpu.memref_slice %arg2[%mul3A_15, %dma_start3A_16] : memref<100000x128xf32, #tpu.memory_space<hbm>> -> memref<80x128xf32, #tpu.memory_space<hbm>>
    %dma_start3A_18 = arith.constant 0 : i32
    %dma_start3A_19 = tpu.memref_slice %arg2[%mul3A_15, %dma_start3A_18] : memref<100000x128xf32, #tpu.memory_space<hbm>> -> memref<80x128xf32, #tpu.memory_space<hbm>>
    tpu.enqueue_dma source(%dma_start3A_19 : memref<80x128xf32, #tpu.memory_space<hbm>>) target(%arg8 : memref<80x128xf32, #tpu.memory_space<vmem>>) target_semaphore(%arg16 : memref<!tpu.dma_semaphore, #tpu.memory_space<semaphore_mem>>)
    %dma_start3A_20 = tpu.memref_slice %arg3[%mul3A_15] : memref<100000xi32, #tpu.memory_space<hbm>> -> memref<80xi32, #tpu.memory_space<hbm>>
    %dma_start3A_21 = tpu.memref_slice %arg3[%mul3A_15] : memref<100000xi32, #tpu.memory_space<hbm>> -> memref<80xi32, #tpu.memory_space<hbm>>
    tpu.enqueue_dma source(%dma_start3A_21 : memref<80xi32, #tpu.memory_space<hbm>>) target(%arg9 : memref<80xi32, #tpu.memory_space<vmem>>) target_semaphore(%arg20 : memref<!tpu.dma_semaphore, #tpu.memory_space<semaphore_mem>>)
    %add3A_22 = arith.constant 64 : i32
    %add3A_23 = arith.addi %add3A, %add3A_22 : i32
    %mul3A_24 = arith.constant 80 : i32
    %mul3A_25 = arith.muli %add3A_23, %mul3A_24 : i32
    %dma_start3A_26 = arith.constant 0 : i32
    %dma_start3A_27 = tpu.memref_slice %arg2[%mul3A_25, %dma_start3A_26] : memref<100000x128xf32, #tpu.memory_space<hbm>> -> memref<80x128xf32, #tpu.memory_space<hbm>>
    %dma_start3A_28 = arith.constant 0 : i32
    %dma_start3A_29 = tpu.memref_slice %arg2[%mul3A_25, %dma_start3A_28] : memref<100000x128xf32, #tpu.memory_space<hbm>> -> memref<80x128xf32, #tpu.memory_space<hbm>>
    tpu.enqueue_dma source(%dma_start3A_29 : memref<80x128xf32, #tpu.memory_space<hbm>>) target(%arg10 : memref<80x128xf32, #tpu.memory_space<vmem>>) target_semaphore(%arg17 : memref<!tpu.dma_semaphore, #tpu.memory_space<semaphore_mem>>)
    %dma_start3A_30 = tpu.memref_slice %arg3[%mul3A_25] : memref<100000xi32, #tpu.memory_space<hbm>> -> memref<80xi32, #tpu.memory_space<hbm>>
    %dma_start3A_31 = tpu.memref_slice %arg3[%mul3A_25] : memref<100000xi32, #tpu.memory_space<hbm>> -> memref<80xi32, #tpu.memory_space<hbm>>
    tpu.enqueue_dma source(%dma_start3A_31 : memref<80xi32, #tpu.memory_space<hbm>>) target(%arg11 : memref<80xi32, #tpu.memory_space<vmem>>) target_semaphore(%arg21 : memref<!tpu.dma_semaphore, #tpu.memory_space<semaphore_mem>>)
    %scan3A = arith.constant 0 : i32
    %scan3A_32 = arith.constant 0 : i32
    %scan3A_33 = arith.constant 9 : i32
    %scan3A_34 = arith.addi %scan3A_32, %scan3A_33 : i32
    %scan3A_35 = arith.constant 1 : i32
    scf.for %scan3A_97 = %scan3A_32 to %scan3A_34 step %scan3A_35  : i32 {
      %mul3A_98 = arith.constant 4 : i32
      %mul3A_99 = arith.muli %mul3A_98, %scan3A_97 : i32
      %add3A_100 = arith.constant 0 : i32
      %add3A_101 = arith.addi %mul3A_99, %add3A_100 : i32
      %dma_wait3A_102 = arith.constant 0 : i32
      %dma_wait3A_103 = arith.constant 0 : i32
      %dma_wait3A_104 = tpu.memref_slice %arg2[%dma_wait3A_102, %dma_wait3A_103] : memref<100000x128xf32, #tpu.memory_space<hbm>> -> memref<80x128xf32, #tpu.memory_space<hbm>>
      %dma_wait3A_105 = arith.constant 0 : i32
      %dma_wait3A_106 = arith.constant 0 : i32
      %dma_wait3A_107 = tpu.memref_slice %arg2[%dma_wait3A_105, %dma_wait3A_106] : memref<100000x128xf32, #tpu.memory_space<hbm>> -> memref<80x128xf32, #tpu.memory_space<hbm>>
      tpu.wait_dma2 semaphore(%arg15 : memref<!tpu.dma_semaphore, #tpu.memory_space<semaphore_mem>>) src(%dma_wait3A_107 : memref<80x128xf32, #tpu.memory_space<hbm>>) dst(%arg6 : memref<80x128xf32, #tpu.memory_space<vmem>>)
      %dma_wait3A_108 = arith.constant 0 : i32
      %dma_wait3A_109 = tpu.memref_slice %arg3[%dma_wait3A_108] : memref<100000xi32, #tpu.memory_space<hbm>> -> memref<80xi32, #tpu.memory_space<hbm>>
      %dma_wait3A_110 = arith.constant 0 : i32
      %dma_wait3A_111 = tpu.memref_slice %arg3[%dma_wait3A_110] : memref<100000xi32, #tpu.memory_space<hbm>> -> memref<80xi32, #tpu.memory_space<hbm>>
      tpu.wait_dma2 semaphore(%arg19 : memref<!tpu.dma_semaphore, #tpu.memory_space<semaphore_mem>>) src(%dma_wait3A_111 : memref<80xi32, #tpu.memory_space<hbm>>) dst(%arg7 : memref<80xi32, #tpu.memory_space<vmem>>)
      %dma_start3A_112 = arith.constant 0 : i32
      %dma_start3A_113 = arith.constant 0 : i32
      %dma_start3A_114 = tpu.memref_slice %arg14[%dma_start3A_112, %dma_start3A_113] : memref<288x128xf32, #tpu.memory_space<vmem_shared>> -> memref<288x128xf32, #tpu.memory_space<vmem_shared>>
      tpu.enqueue_indirect_dma source(%arg6 : memref<80x128xf32, #tpu.memory_space<vmem>>) target(%dma_start3A_114 : memref<288x128xf32, #tpu.memory_space<vmem_shared>>) offsets(%arg7 : memref<80xi32, #tpu.memory_space<vmem>>) semaphore(%arg23 : memref<!tpu.dma_semaphore, #tpu.memory_space<semaphore_mem>>) {add = true}
      %ge3A = arith.constant 1 : i32
      %ge3A_115 = arith.cmpi sge, %add3A_101, %ge3A : i32
      %convert_element_type3A_116 = arith.extui %ge3A_115 : i1 to i32
      %cond3A_117 = arith.constant 0 : i32
      %cond3A_118 = arith.cmpi ne, %convert_element_type3A_116, %cond3A_117 : i32
      scf.if %cond3A_118 {
        %dma_wait3A_244 = arith.constant 0 : i32
        %dma_wait3A_245 = arith.constant 0 : i32
        %dma_wait3A_246 = tpu.memref_slice %arg14[%dma_wait3A_244, %dma_wait3A_245] : memref<288x128xf32, #tpu.memory_space<vmem_shared>> -> memref<288x128xf32, #tpu.memory_space<vmem_shared>>
        tpu.wait_indirect_dma semaphore(%arg26 : memref<!tpu.dma_semaphore, #tpu.memory_space<semaphore_mem>>) src(%arg12 : memref<80x128xf32, #tpu.memory_space<vmem>>) dst(%dma_wait3A_246 : memref<288x128xf32, #tpu.memory_space<vmem_shared>>)
      } else {
      }
      %add3A_119 = arith.constant 4 : i32
      %add3A_120 = arith.addi %add3A_101, %add3A_119 : i32
      %sub3A = arith.constant 1 : i32
      %sub3A_121 = arith.subi %add3A_120, %sub3A : i32
      %mul3A_122 = arith.constant 32 : i32
      %mul3A_123 = arith.muli %sub3A_121, %mul3A_122 : i32
      %add3A_124 = arith.addi %add3A, %mul3A_123 : i32
      %mul3A_125 = arith.constant 80 : i32
      %mul3A_126 = arith.muli %add3A_124, %mul3A_125 : i32
      %dma_start3A_127 = arith.constant 0 : i32
      %dma_start3A_128 = tpu.memref_slice %arg2[%mul3A_126, %dma_start3A_127] : memref<100000x128xf32, #tpu.memory_space<hbm>> -> memref<80x128xf32, #tpu.memory_space<hbm>>
      %dma_start3A_129 = arith.constant 0 : i32
      %dma_start3A_130 = tpu.memref_slice %arg2[%mul3A_126, %dma_start3A_129] : memref<100000x128xf32, #tpu.memory_space<hbm>> -> memref<80x128xf32, #tpu.memory_space<hbm>>
      tpu.enqueue_dma source(%dma_start3A_130 : memref<80x128xf32, #tpu.memory_space<hbm>>) target(%arg12 : memref<80x128xf32, #tpu.memory_space<vmem>>) target_semaphore(%arg18 : memref<!tpu.dma_semaphore, #tpu.memory_space<semaphore_mem>>)
      %dma_start3A_131 = tpu.memref_slice %arg3[%mul3A_126] : memref<100000xi32, #tpu.memory_space<hbm>> -> memref<80xi32, #tpu.memory_space<hbm>>
      %dma_start3A_132 = tpu.memref_slice %arg3[%mul3A_126] : memref<100000xi32, #tpu.memory_space<hbm>> -> memref<80xi32, #tpu.memory_space<hbm>>
      tpu.enqueue_dma source(%dma_start3A_132 : memref<80xi32, #tpu.memory_space<hbm>>) target(%arg13 : memref<80xi32, #tpu.memory_space<vmem>>) target_semaphore(%arg22 : memref<!tpu.dma_semaphore, #tpu.memory_space<semaphore_mem>>)
      %mul3A_133 = arith.constant 4 : i32
      %mul3A_134 = arith.muli %mul3A_133, %scan3A_97 : i32
      %add3A_135 = arith.constant 1 : i32
      %add3A_136 = arith.addi %mul3A_134, %add3A_135 : i32
      %dma_wait3A_137 = arith.constant 0 : i32
      %dma_wait3A_138 = arith.constant 0 : i32
      %dma_wait3A_139 = tpu.memref_slice %arg2[%dma_wait3A_137, %dma_wait3A_138] : memref<100000x128xf32, #tpu.memory_space<hbm>> -> memref<80x128xf32, #tpu.memory_space<hbm>>
      %dma_wait3A_140 = arith.constant 0 : i32
      %dma_wait3A_141 = arith.constant 0 : i32
      %dma_wait3A_142 = tpu.memref_slice %arg2[%dma_wait3A_140, %dma_wait3A_141] : memref<100000x128xf32, #tpu.memory_space<hbm>> -> memref<80x128xf32, #tpu.memory_space<hbm>>
      tpu.wait_dma2 semaphore(%arg16 : memref<!tpu.dma_semaphore, #tpu.memory_space<semaphore_mem>>) src(%dma_wait3A_142 : memref<80x128xf32, #tpu.memory_space<hbm>>) dst(%arg8 : memref<80x128xf32, #tpu.memory_space<vmem>>)
      %dma_wait3A_143 = arith.constant 0 : i32
      %dma_wait3A_144 = tpu.memref_slice %arg3[%dma_wait3A_143] : memref<100000xi32, #tpu.memory_space<hbm>> -> memref<80xi32, #tpu.memory_space<hbm>>
      %dma_wait3A_145 = arith.constant 0 : i32
      %dma_wait3A_146 = tpu.memref_slice %arg3[%dma_wait3A_145] : memref<100000xi32, #tpu.memory_space<hbm>> -> memref<80xi32, #tpu.memory_space<hbm>>
      tpu.wait_dma2 semaphore(%arg20 : memref<!tpu.dma_semaphore, #tpu.memory_space<semaphore_mem>>) src(%dma_wait3A_146 : memref<80xi32, #tpu.memory_space<hbm>>) dst(%arg9 : memref<80xi32, #tpu.memory_space<vmem>>)
      %dma_start3A_147 = arith.constant 0 : i32
      %dma_start3A_148 = arith.constant 0 : i32
      %dma_start3A_149 = tpu.memref_slice %arg14[%dma_start3A_147, %dma_start3A_148] : memref<288x128xf32, #tpu.memory_space<vmem_shared>> -> memref<288x128xf32, #tpu.memory_space<vmem_shared>>
      tpu.enqueue_indirect_dma source(%arg8 : memref<80x128xf32, #tpu.memory_space<vmem>>) target(%dma_start3A_149 : memref<288x128xf32, #tpu.memory_space<vmem_shared>>) offsets(%arg9 : memref<80xi32, #tpu.memory_space<vmem>>) semaphore(%arg24 : memref<!tpu.dma_semaphore, #tpu.memory_space<semaphore_mem>>) {add = true}
      %ge3A_150 = arith.constant 1 : i32
      %ge3A_151 = arith.cmpi sge, %add3A_136, %ge3A_150 : i32
      %convert_element_type3A_152 = arith.extui %ge3A_151 : i1 to i32
      %cond3A_153 = arith.constant 0 : i32
      %cond3A_154 = arith.cmpi ne, %convert_element_type3A_152, %cond3A_153 : i32
      scf.if %cond3A_154 {
        %dma_wait3A_244 = arith.constant 0 : i32
        %dma_wait3A_245 = arith.constant 0 : i32
        %dma_wait3A_246 = tpu.memref_slice %arg14[%dma_wait3A_244, %dma_wait3A_245] : memref<288x128xf32, #tpu.memory_space<vmem_shared>> -> memref<288x128xf32, #tpu.memory_space<vmem_shared>>
        tpu.wait_indirect_dma semaphore(%arg23 : memref<!tpu.dma_semaphore, #tpu.memory_space<semaphore_mem>>) src(%arg6 : memref<80x128xf32, #tpu.memory_space<vmem>>) dst(%dma_wait3A_246 : memref<288x128xf32, #tpu.memory_space<vmem_shared>>)
      } else {
      }
      %add3A_155 = arith.constant 4 : i32
      %add3A_156 = arith.addi %add3A_136, %add3A_155 : i32
      %sub3A_157 = arith.constant 1 : i32
      %sub3A_158 = arith.subi %add3A_156, %sub3A_157 : i32
      %mul3A_159 = arith.constant 32 : i32
      %mul3A_160 = arith.muli %sub3A_158, %mul3A_159 : i32
      %add3A_161 = arith.addi %add3A, %mul3A_160 : i32
      %mul3A_162 = arith.constant 80 : i32
      %mul3A_163 = arith.muli %add3A_161, %mul3A_162 : i32
      %dma_start3A_164 = arith.constant 0 : i32
      %dma_start3A_165 = tpu.memref_slice %arg2[%mul3A_163, %dma_start3A_164] : memref<100000x128xf32, #tpu.memory_space<hbm>> -> memref<80x128xf32, #tpu.memory_space<hbm>>
      %dma_start3A_166 = arith.constant 0 : i32
      %dma_start3A_167 = tpu.memref_slice %arg2[%mul3A_163, %dma_start3A_166] : memref<100000x128xf32, #tpu.memory_space<hbm>> -> memref<80x128xf32, #tpu.memory_space<hbm>>
      tpu.enqueue_dma source(%dma_start3A_167 : memref<80x128xf32, #tpu.memory_space<hbm>>) target(%arg6 : memref<80x128xf32, #tpu.memory_space<vmem>>) target_semaphore(%arg15 : memref<!tpu.dma_semaphore, #tpu.memory_space<semaphore_mem>>)
      %dma_start3A_168 = tpu.memref_slice %arg3[%mul3A_163] : memref<100000xi32, #tpu.memory_space<hbm>> -> memref<80xi32, #tpu.memory_space<hbm>>
      %dma_start3A_169 = tpu.memref_slice %arg3[%mul3A_163] : memref<100000xi32, #tpu.memory_space<hbm>> -> memref<80xi32, #tpu.memory_space<hbm>>
      tpu.enqueue_dma source(%dma_start3A_169 : memref<80xi32, #tpu.memory_space<hbm>>) target(%arg7 : memref<80xi32, #tpu.memory_space<vmem>>) target_semaphore(%arg19 : memref<!tpu.dma_semaphore, #tpu.memory_space<semaphore_mem>>)
      %mul3A_170 = arith.constant 4 : i32
      %mul3A_171 = arith.muli %mul3A_170, %scan3A_97 : i32
      %add3A_172 = arith.constant 2 : i32
      %add3A_173 = arith.addi %mul3A_171, %add3A_172 : i32
      %dma_wait3A_174 = arith.constant 0 : i32
      %dma_wait3A_175 = arith.constant 0 : i32
      %dma_wait3A_176 = tpu.memref_slice %arg2[%dma_wait3A_174, %dma_wait3A_175] : memref<100000x128xf32, #tpu.memory_space<hbm>> -> memref<80x128xf32, #tpu.memory_space<hbm>>
      %dma_wait3A_177 = arith.constant 0 : i32
      %dma_wait3A_178 = arith.constant 0 : i32
      %dma_wait3A_179 = tpu.memref_slice %arg2[%dma_wait3A_177, %dma_wait3A_178] : memref<100000x128xf32, #tpu.memory_space<hbm>> -> memref<80x128xf32, #tpu.memory_space<hbm>>
      tpu.wait_dma2 semaphore(%arg17 : memref<!tpu.dma_semaphore, #tpu.memory_space<semaphore_mem>>) src(%dma_wait3A_179 : memref<80x128xf32, #tpu.memory_space<hbm>>) dst(%arg10 : memref<80x128xf32, #tpu.memory_space<vmem>>)
      %dma_wait3A_180 = arith.constant 0 : i32
      %dma_wait3A_181 = tpu.memref_slice %arg3[%dma_wait3A_180] : memref<100000xi32, #tpu.memory_space<hbm>> -> memref<80xi32, #tpu.memory_space<hbm>>
      %dma_wait3A_182 = arith.constant 0 : i32
      %dma_wait3A_183 = tpu.memref_slice %arg3[%dma_wait3A_182] : memref<100000xi32, #tpu.memory_space<hbm>> -> memref<80xi32, #tpu.memory_space<hbm>>
      tpu.wait_dma2 semaphore(%arg21 : memref<!tpu.dma_semaphore, #tpu.memory_space<semaphore_mem>>) src(%dma_wait3A_183 : memref<80xi32, #tpu.memory_space<hbm>>) dst(%arg11 : memref<80xi32, #tpu.memory_space<vmem>>)
      %dma_start3A_184 = arith.constant 0 : i32
      %dma_start3A_185 = arith.constant 0 : i32
      %dma_start3A_186 = tpu.memref_slice %arg14[%dma_start3A_184, %dma_start3A_185] : memref<288x128xf32, #tpu.memory_space<vmem_shared>> -> memref<288x128xf32, #tpu.memory_space<vmem_shared>>
      tpu.enqueue_indirect_dma source(%arg10 : memref<80x128xf32, #tpu.memory_space<vmem>>) target(%dma_start3A_186 : memref<288x128xf32, #tpu.memory_space<vmem_shared>>) offsets(%arg11 : memref<80xi32, #tpu.memory_space<vmem>>) semaphore(%arg25 : memref<!tpu.dma_semaphore, #tpu.memory_space<semaphore_mem>>) {add = true}
      %ge3A_187 = arith.constant 1 : i32
      %ge3A_188 = arith.cmpi sge, %add3A_173, %ge3A_187 : i32
      %convert_element_type3A_189 = arith.extui %ge3A_188 : i1 to i32
      %cond3A_190 = arith.constant 0 : i32
      %cond3A_191 = arith.cmpi ne, %convert_element_type3A_189, %cond3A_190 : i32
      scf.if %cond3A_191 {
        %dma_wait3A_244 = arith.constant 0 : i32
        %dma_wait3A_245 = arith.constant 0 : i32
        %dma_wait3A_246 = tpu.memref_slice %arg14[%dma_wait3A_244, %dma_wait3A_245] : memref<288x128xf32, #tpu.memory_space<vmem_shared>> -> memref<288x128xf32, #tpu.memory_space<vmem_shared>>
        tpu.wait_indirect_dma semaphore(%arg24 : memref<!tpu.dma_semaphore, #tpu.memory_space<semaphore_mem>>) src(%arg8 : memref<80x128xf32, #tpu.memory_space<vmem>>) dst(%dma_wait3A_246 : memref<288x128xf32, #tpu.memory_space<vmem_shared>>)
      } else {
      }
      %add3A_192 = arith.constant 4 : i32
      %add3A_193 = arith.addi %add3A_173, %add3A_192 : i32
      %sub3A_194 = arith.constant 1 : i32
      %sub3A_195 = arith.subi %add3A_193, %sub3A_194 : i32
      %mul3A_196 = arith.constant 32 : i32
      %mul3A_197 = arith.muli %sub3A_195, %mul3A_196 : i32
      %add3A_198 = arith.addi %add3A, %mul3A_197 : i32
      %mul3A_199 = arith.constant 80 : i32
      %mul3A_200 = arith.muli %add3A_198, %mul3A_199 : i32
      %dma_start3A_201 = arith.constant 0 : i32
      %dma_start3A_202 = tpu.memref_slice %arg2[%mul3A_200, %dma_start3A_201] : memref<100000x128xf32, #tpu.memory_space<hbm>> -> memref<80x128xf32, #tpu.memory_space<hbm>>
      %dma_start3A_203 = arith.constant 0 : i32
      %dma_start3A_204 = tpu.memref_slice %arg2[%mul3A_200, %dma_start3A_203] : memref<100000x128xf32, #tpu.memory_space<hbm>> -> memref<80x128xf32, #tpu.memory_space<hbm>>
      tpu.enqueue_dma source(%dma_start3A_204 : memref<80x128xf32, #tpu.memory_space<hbm>>) target(%arg8 : memref<80x128xf32, #tpu.memory_space<vmem>>) target_semaphore(%arg16 : memref<!tpu.dma_semaphore, #tpu.memory_space<semaphore_mem>>)
      %dma_start3A_205 = tpu.memref_slice %arg3[%mul3A_200] : memref<100000xi32, #tpu.memory_space<hbm>> -> memref<80xi32, #tpu.memory_space<hbm>>
      %dma_start3A_206 = tpu.memref_slice %arg3[%mul3A_200] : memref<100000xi32, #tpu.memory_space<hbm>> -> memref<80xi32, #tpu.memory_space<hbm>>
      tpu.enqueue_dma source(%dma_start3A_206 : memref<80xi32, #tpu.memory_space<hbm>>) target(%arg9 : memref<80xi32, #tpu.memory_space<vmem>>) target_semaphore(%arg20 : memref<!tpu.dma_semaphore, #tpu.memory_space<semaphore_mem>>)
      %mul3A_207 = arith.constant 4 : i32
      %mul3A_208 = arith.muli %mul3A_207, %scan3A_97 : i32
      %add3A_209 = arith.constant 3 : i32
      %add3A_210 = arith.addi %mul3A_208, %add3A_209 : i32
      %dma_wait3A_211 = arith.constant 0 : i32
      %dma_wait3A_212 = arith.constant 0 : i32
      %dma_wait3A_213 = tpu.memref_slice %arg2[%dma_wait3A_211, %dma_wait3A_212] : memref<100000x128xf32, #tpu.memory_space<hbm>> -> memref<80x128xf32, #tpu.memory_space<hbm>>
      %dma_wait3A_214 = arith.constant 0 : i32
      %dma_wait3A_215 = arith.constant 0 : i32
      %dma_wait3A_216 = tpu.memref_slice %arg2[%dma_wait3A_214, %dma_wait3A_215] : memref<100000x128xf32, #tpu.memory_space<hbm>> -> memref<80x128xf32, #tpu.memory_space<hbm>>
      tpu.wait_dma2 semaphore(%arg18 : memref<!tpu.dma_semaphore, #tpu.memory_space<semaphore_mem>>) src(%dma_wait3A_216 : memref<80x128xf32, #tpu.memory_space<hbm>>) dst(%arg12 : memref<80x128xf32, #tpu.memory_space<vmem>>)
      %dma_wait3A_217 = arith.constant 0 : i32
      %dma_wait3A_218 = tpu.memref_slice %arg3[%dma_wait3A_217] : memref<100000xi32, #tpu.memory_space<hbm>> -> memref<80xi32, #tpu.memory_space<hbm>>
      %dma_wait3A_219 = arith.constant 0 : i32
      %dma_wait3A_220 = tpu.memref_slice %arg3[%dma_wait3A_219] : memref<100000xi32, #tpu.memory_space<hbm>> -> memref<80xi32, #tpu.memory_space<hbm>>
      tpu.wait_dma2 semaphore(%arg22 : memref<!tpu.dma_semaphore, #tpu.memory_space<semaphore_mem>>) src(%dma_wait3A_220 : memref<80xi32, #tpu.memory_space<hbm>>) dst(%arg13 : memref<80xi32, #tpu.memory_space<vmem>>)
      %dma_start3A_221 = arith.constant 0 : i32
      %dma_start3A_222 = arith.constant 0 : i32
      %dma_start3A_223 = tpu.memref_slice %arg14[%dma_start3A_221, %dma_start3A_222] : memref<288x128xf32, #tpu.memory_space<vmem_shared>> -> memref<288x128xf32, #tpu.memory_space<vmem_shared>>
      tpu.enqueue_indirect_dma source(%arg12 : memref<80x128xf32, #tpu.memory_space<vmem>>) target(%dma_start3A_223 : memref<288x128xf32, #tpu.memory_space<vmem_shared>>) offsets(%arg13 : memref<80xi32, #tpu.memory_space<vmem>>) semaphore(%arg26 : memref<!tpu.dma_semaphore, #tpu.memory_space<semaphore_mem>>) {add = true}
      %ge3A_224 = arith.constant 1 : i32
      %ge3A_225 = arith.cmpi sge, %add3A_210, %ge3A_224 : i32
      %convert_element_type3A_226 = arith.extui %ge3A_225 : i1 to i32
      %cond3A_227 = arith.constant 0 : i32
      %cond3A_228 = arith.cmpi ne, %convert_element_type3A_226, %cond3A_227 : i32
      scf.if %cond3A_228 {
        %dma_wait3A_244 = arith.constant 0 : i32
        %dma_wait3A_245 = arith.constant 0 : i32
        %dma_wait3A_246 = tpu.memref_slice %arg14[%dma_wait3A_244, %dma_wait3A_245] : memref<288x128xf32, #tpu.memory_space<vmem_shared>> -> memref<288x128xf32, #tpu.memory_space<vmem_shared>>
        tpu.wait_indirect_dma semaphore(%arg25 : memref<!tpu.dma_semaphore, #tpu.memory_space<semaphore_mem>>) src(%arg10 : memref<80x128xf32, #tpu.memory_space<vmem>>) dst(%dma_wait3A_246 : memref<288x128xf32, #tpu.memory_space<vmem_shared>>)
      } else {
      }
      %add3A_229 = arith.constant 4 : i32
      %add3A_230 = arith.addi %add3A_210, %add3A_229 : i32
      %sub3A_231 = arith.constant 1 : i32
      %sub3A_232 = arith.subi %add3A_230, %sub3A_231 : i32
      %mul3A_233 = arith.constant 32 : i32
      %mul3A_234 = arith.muli %sub3A_232, %mul3A_233 : i32
      %add3A_235 = arith.addi %add3A, %mul3A_234 : i32
      %mul3A_236 = arith.constant 80 : i32
      %mul3A_237 = arith.muli %add3A_235, %mul3A_236 : i32
      %dma_start3A_238 = arith.constant 0 : i32
      %dma_start3A_239 = tpu.memref_slice %arg2[%mul3A_237, %dma_start3A_238] : memref<100000x128xf32, #tpu.memory_space<hbm>> -> memref<80x128xf32, #tpu.memory_space<hbm>>
      %dma_start3A_240 = arith.constant 0 : i32
      %dma_start3A_241 = tpu.memref_slice %arg2[%mul3A_237, %dma_start3A_240] : memref<100000x128xf32, #tpu.memory_space<hbm>> -> memref<80x128xf32, #tpu.memory_space<hbm>>
      tpu.enqueue_dma source(%dma_start3A_241 : memref<80x128xf32, #tpu.memory_space<hbm>>) target(%arg10 : memref<80x128xf32, #tpu.memory_space<vmem>>) target_semaphore(%arg17 : memref<!tpu.dma_semaphore, #tpu.memory_space<semaphore_mem>>)
      %dma_start3A_242 = tpu.memref_slice %arg3[%mul3A_237] : memref<100000xi32, #tpu.memory_space<hbm>> -> memref<80xi32, #tpu.memory_space<hbm>>
      %dma_start3A_243 = tpu.memref_slice %arg3[%mul3A_237] : memref<100000xi32, #tpu.memory_space<hbm>> -> memref<80xi32, #tpu.memory_space<hbm>>
      tpu.enqueue_dma source(%dma_start3A_243 : memref<80xi32, #tpu.memory_space<hbm>>) target(%arg11 : memref<80xi32, #tpu.memory_space<vmem>>) target_semaphore(%arg21 : memref<!tpu.dma_semaphore, #tpu.memory_space<semaphore_mem>>)
    }
    %scan3A_36 = arith.constant 9 : i32
    %dma_wait3A = arith.constant 0 : i32
    %dma_wait3A_37 = arith.constant 0 : i32
    %dma_wait3A_38 = tpu.memref_slice %arg2[%dma_wait3A, %dma_wait3A_37] : memref<100000x128xf32, #tpu.memory_space<hbm>> -> memref<80x128xf32, #tpu.memory_space<hbm>>
    %dma_wait3A_39 = arith.constant 0 : i32
    %dma_wait3A_40 = arith.constant 0 : i32
    %dma_wait3A_41 = tpu.memref_slice %arg2[%dma_wait3A_39, %dma_wait3A_40] : memref<100000x128xf32, #tpu.memory_space<hbm>> -> memref<80x128xf32, #tpu.memory_space<hbm>>
    tpu.wait_dma2 semaphore(%arg15 : memref<!tpu.dma_semaphore, #tpu.memory_space<semaphore_mem>>) src(%dma_wait3A_41 : memref<80x128xf32, #tpu.memory_space<hbm>>) dst(%arg6 : memref<80x128xf32, #tpu.memory_space<vmem>>)
    %dma_wait3A_42 = arith.constant 0 : i32
    %dma_wait3A_43 = tpu.memref_slice %arg3[%dma_wait3A_42] : memref<100000xi32, #tpu.memory_space<hbm>> -> memref<80xi32, #tpu.memory_space<hbm>>
    %dma_wait3A_44 = arith.constant 0 : i32
    %dma_wait3A_45 = tpu.memref_slice %arg3[%dma_wait3A_44] : memref<100000xi32, #tpu.memory_space<hbm>> -> memref<80xi32, #tpu.memory_space<hbm>>
    tpu.wait_dma2 semaphore(%arg19 : memref<!tpu.dma_semaphore, #tpu.memory_space<semaphore_mem>>) src(%dma_wait3A_45 : memref<80xi32, #tpu.memory_space<hbm>>) dst(%arg7 : memref<80xi32, #tpu.memory_space<vmem>>)
    %dma_start3A_46 = arith.constant 0 : i32
    %dma_start3A_47 = arith.constant 0 : i32
    %dma_start3A_48 = tpu.memref_slice %arg14[%dma_start3A_46, %dma_start3A_47] : memref<288x128xf32, #tpu.memory_space<vmem_shared>> -> memref<288x128xf32, #tpu.memory_space<vmem_shared>>
    tpu.enqueue_indirect_dma source(%arg6 : memref<80x128xf32, #tpu.memory_space<vmem>>) target(%dma_start3A_48 : memref<288x128xf32, #tpu.memory_space<vmem_shared>>) offsets(%arg7 : memref<80xi32, #tpu.memory_space<vmem>>) semaphore(%arg23 : memref<!tpu.dma_semaphore, #tpu.memory_space<semaphore_mem>>) {add = true}
    %dma_wait3A_49 = arith.constant 0 : i32
    %dma_wait3A_50 = arith.constant 0 : i32
    %dma_wait3A_51 = tpu.memref_slice %arg14[%dma_wait3A_49, %dma_wait3A_50] : memref<288x128xf32, #tpu.memory_space<vmem_shared>> -> memref<288x128xf32, #tpu.memory_space<vmem_shared>>
    tpu.wait_indirect_dma semaphore(%arg26 : memref<!tpu.dma_semaphore, #tpu.memory_space<semaphore_mem>>) src(%arg12 : memref<80x128xf32, #tpu.memory_space<vmem>>) dst(%dma_wait3A_51 : memref<288x128xf32, #tpu.memory_space<vmem_shared>>)
    %dma_wait3A_52 = arith.constant 0 : i32
    %dma_wait3A_53 = arith.constant 0 : i32
    %dma_wait3A_54 = tpu.memref_slice %arg2[%dma_wait3A_52, %dma_wait3A_53] : memref<100000x128xf32, #tpu.memory_space<hbm>> -> memref<80x128xf32, #tpu.memory_space<hbm>>
    %dma_wait3A_55 = arith.constant 0 : i32
    %dma_wait3A_56 = arith.constant 0 : i32
    %dma_wait3A_57 = tpu.memref_slice %arg2[%dma_wait3A_55, %dma_wait3A_56] : memref<100000x128xf32, #tpu.memory_space<hbm>> -> memref<80x128xf32, #tpu.memory_space<hbm>>
    tpu.wait_dma2 semaphore(%arg16 : memref<!tpu.dma_semaphore, #tpu.memory_space<semaphore_mem>>) src(%dma_wait3A_57 : memref<80x128xf32, #tpu.memory_space<hbm>>) dst(%arg8 : memref<80x128xf32, #tpu.memory_space<vmem>>)
    %dma_wait3A_58 = arith.constant 0 : i32
    %dma_wait3A_59 = tpu.memref_slice %arg3[%dma_wait3A_58] : memref<100000xi32, #tpu.memory_space<hbm>> -> memref<80xi32, #tpu.memory_space<hbm>>
    %dma_wait3A_60 = arith.constant 0 : i32
    %dma_wait3A_61 = tpu.memref_slice %arg3[%dma_wait3A_60] : memref<100000xi32, #tpu.memory_space<hbm>> -> memref<80xi32, #tpu.memory_space<hbm>>
    tpu.wait_dma2 semaphore(%arg20 : memref<!tpu.dma_semaphore, #tpu.memory_space<semaphore_mem>>) src(%dma_wait3A_61 : memref<80xi32, #tpu.memory_space<hbm>>) dst(%arg9 : memref<80xi32, #tpu.memory_space<vmem>>)
    %dma_start3A_62 = arith.constant 0 : i32
    %dma_start3A_63 = arith.constant 0 : i32
    %dma_start3A_64 = tpu.memref_slice %arg14[%dma_start3A_62, %dma_start3A_63] : memref<288x128xf32, #tpu.memory_space<vmem_shared>> -> memref<288x128xf32, #tpu.memory_space<vmem_shared>>
    tpu.enqueue_indirect_dma source(%arg8 : memref<80x128xf32, #tpu.memory_space<vmem>>) target(%dma_start3A_64 : memref<288x128xf32, #tpu.memory_space<vmem_shared>>) offsets(%arg9 : memref<80xi32, #tpu.memory_space<vmem>>) semaphore(%arg24 : memref<!tpu.dma_semaphore, #tpu.memory_space<semaphore_mem>>) {add = true}
    %dma_wait3A_65 = arith.constant 0 : i32
    %dma_wait3A_66 = arith.constant 0 : i32
    %dma_wait3A_67 = tpu.memref_slice %arg14[%dma_wait3A_65, %dma_wait3A_66] : memref<288x128xf32, #tpu.memory_space<vmem_shared>> -> memref<288x128xf32, #tpu.memory_space<vmem_shared>>
    tpu.wait_indirect_dma semaphore(%arg23 : memref<!tpu.dma_semaphore, #tpu.memory_space<semaphore_mem>>) src(%arg6 : memref<80x128xf32, #tpu.memory_space<vmem>>) dst(%dma_wait3A_67 : memref<288x128xf32, #tpu.memory_space<vmem_shared>>)
    %dma_wait3A_68 = arith.constant 0 : i32
    %dma_wait3A_69 = arith.constant 0 : i32
    %dma_wait3A_70 = tpu.memref_slice %arg2[%dma_wait3A_68, %dma_wait3A_69] : memref<100000x128xf32, #tpu.memory_space<hbm>> -> memref<80x128xf32, #tpu.memory_space<hbm>>
    %dma_wait3A_71 = arith.constant 0 : i32
    %dma_wait3A_72 = arith.constant 0 : i32
    %dma_wait3A_73 = tpu.memref_slice %arg2[%dma_wait3A_71, %dma_wait3A_72] : memref<100000x128xf32, #tpu.memory_space<hbm>> -> memref<80x128xf32, #tpu.memory_space<hbm>>
    tpu.wait_dma2 semaphore(%arg17 : memref<!tpu.dma_semaphore, #tpu.memory_space<semaphore_mem>>) src(%dma_wait3A_73 : memref<80x128xf32, #tpu.memory_space<hbm>>) dst(%arg10 : memref<80x128xf32, #tpu.memory_space<vmem>>)
    %dma_wait3A_74 = arith.constant 0 : i32
    %dma_wait3A_75 = tpu.memref_slice %arg3[%dma_wait3A_74] : memref<100000xi32, #tpu.memory_space<hbm>> -> memref<80xi32, #tpu.memory_space<hbm>>
    %dma_wait3A_76 = arith.constant 0 : i32
    %dma_wait3A_77 = tpu.memref_slice %arg3[%dma_wait3A_76] : memref<100000xi32, #tpu.memory_space<hbm>> -> memref<80xi32, #tpu.memory_space<hbm>>
    tpu.wait_dma2 semaphore(%arg21 : memref<!tpu.dma_semaphore, #tpu.memory_space<semaphore_mem>>) src(%dma_wait3A_77 : memref<80xi32, #tpu.memory_space<hbm>>) dst(%arg11 : memref<80xi32, #tpu.memory_space<vmem>>)
    %dma_start3A_78 = arith.constant 0 : i32
    %dma_start3A_79 = arith.constant 0 : i32
    %dma_start3A_80 = tpu.memref_slice %arg14[%dma_start3A_78, %dma_start3A_79] : memref<288x128xf32, #tpu.memory_space<vmem_shared>> -> memref<288x128xf32, #tpu.memory_space<vmem_shared>>
    tpu.enqueue_indirect_dma source(%arg10 : memref<80x128xf32, #tpu.memory_space<vmem>>) target(%dma_start3A_80 : memref<288x128xf32, #tpu.memory_space<vmem_shared>>) offsets(%arg11 : memref<80xi32, #tpu.memory_space<vmem>>) semaphore(%arg25 : memref<!tpu.dma_semaphore, #tpu.memory_space<semaphore_mem>>) {add = true}
    %dma_wait3A_81 = arith.constant 0 : i32
    %dma_wait3A_82 = arith.constant 0 : i32
    %dma_wait3A_83 = tpu.memref_slice %arg14[%dma_wait3A_81, %dma_wait3A_82] : memref<288x128xf32, #tpu.memory_space<vmem_shared>> -> memref<288x128xf32, #tpu.memory_space<vmem_shared>>
    tpu.wait_indirect_dma semaphore(%arg24 : memref<!tpu.dma_semaphore, #tpu.memory_space<semaphore_mem>>) src(%arg8 : memref<80x128xf32, #tpu.memory_space<vmem>>) dst(%dma_wait3A_83 : memref<288x128xf32, #tpu.memory_space<vmem_shared>>)
    %dma_wait3A_84 = arith.constant 0 : i32
    %dma_wait3A_85 = arith.constant 0 : i32
    %dma_wait3A_86 = tpu.memref_slice %arg14[%dma_wait3A_84, %dma_wait3A_85] : memref<288x128xf32, #tpu.memory_space<vmem_shared>> -> memref<288x128xf32, #tpu.memory_space<vmem_shared>>
    tpu.wait_indirect_dma semaphore(%arg25 : memref<!tpu.dma_semaphore, #tpu.memory_space<semaphore_mem>>) src(%arg10 : memref<80x128xf32, #tpu.memory_space<vmem>>) dst(%dma_wait3A_86 : memref<288x128xf32, #tpu.memory_space<vmem_shared>>)
    %lt3A = arith.constant 2 : i32
    %lt3A_87 = arith.cmpi slt, %add3A, %lt3A : i32
    %convert_element_type3A_88 = arith.extui %lt3A_87 : i1 to i32
    %cond3A_89 = arith.constant 0 : i32
    %cond3A_90 = arith.cmpi ne, %convert_element_type3A_88, %cond3A_89 : i32
    scf.if %cond3A_90 {
      %add3A_97 = arith.constant 1248 : i32
      %add3A_98 = arith.addi %add3A_97, %add3A : i32
      %mul3A_99 = arith.constant 80 : i32
      %mul3A_100 = arith.muli %add3A_98, %mul3A_99 : i32
      "tpu.region"() ({
        %run_scoped3A = tpu.sem_alloc : memref<!tpu.dma_semaphore, #tpu.memory_space<semaphore_mem>>
        %dma_start3A_101 = arith.constant 0 : i32
        %dma_start3A_102 = tpu.memref_slice %arg2[%mul3A_100, %dma_start3A_101] : memref<100000x128xf32, #tpu.memory_space<hbm>> -> memref<80x128xf32, #tpu.memory_space<hbm>>
        %dma_start3A_103 = arith.constant 0 : i32
        %dma_start3A_104 = tpu.memref_slice %arg2[%mul3A_100, %dma_start3A_103] : memref<100000x128xf32, #tpu.memory_space<hbm>> -> memref<80x128xf32, #tpu.memory_space<hbm>>
        tpu.enqueue_dma source(%dma_start3A_104 : memref<80x128xf32, #tpu.memory_space<hbm>>) target(%arg6 : memref<80x128xf32, #tpu.memory_space<vmem>>) target_semaphore(%run_scoped3A : memref<!tpu.dma_semaphore, #tpu.memory_space<semaphore_mem>>)
        %dma_wait3A_105 = arith.constant 0 : i32
        %dma_wait3A_106 = tpu.memref_slice %arg2[%mul3A_100, %dma_wait3A_105] : memref<100000x128xf32, #tpu.memory_space<hbm>> -> memref<80x128xf32, #tpu.memory_space<hbm>>
        %dma_wait3A_107 = arith.constant 0 : i32
        %dma_wait3A_108 = tpu.memref_slice %arg2[%mul3A_100, %dma_wait3A_107] : memref<100000x128xf32, #tpu.memory_space<hbm>> -> memref<80x128xf32, #tpu.memory_space<hbm>>
        tpu.wait_dma2 semaphore(%run_scoped3A : memref<!tpu.dma_semaphore, #tpu.memory_space<semaphore_mem>>) src(%dma_wait3A_108 : memref<80x128xf32, #tpu.memory_space<hbm>>) dst(%arg6 : memref<80x128xf32, #tpu.memory_space<vmem>>)
        tpu.yield
      }) : () -> ()
      "tpu.region"() ({
        %run_scoped3A = tpu.sem_alloc : memref<!tpu.dma_semaphore, #tpu.memory_space<semaphore_mem>>
        %dma_start3A_101 = tpu.memref_slice %arg3[%mul3A_100] : memref<100000xi32, #tpu.memory_space<hbm>> -> memref<80xi32, #tpu.memory_space<hbm>>
        %dma_start3A_102 = tpu.memref_slice %arg3[%mul3A_100] : memref<100000xi32, #tpu.memory_space<hbm>> -> memref<80xi32, #tpu.memory_space<hbm>>
        tpu.enqueue_dma source(%dma_start3A_102 : memref<80xi32, #tpu.memory_space<hbm>>) target(%arg7 : memref<80xi32, #tpu.memory_space<vmem>>) target_semaphore(%run_scoped3A : memref<!tpu.dma_semaphore, #tpu.memory_space<semaphore_mem>>)
        %dma_wait3A_103 = tpu.memref_slice %arg3[%mul3A_100] : memref<100000xi32, #tpu.memory_space<hbm>> -> memref<80xi32, #tpu.memory_space<hbm>>
        %dma_wait3A_104 = tpu.memref_slice %arg3[%mul3A_100] : memref<100000xi32, #tpu.memory_space<hbm>> -> memref<80xi32, #tpu.memory_space<hbm>>
        tpu.wait_dma2 semaphore(%run_scoped3A : memref<!tpu.dma_semaphore, #tpu.memory_space<semaphore_mem>>) src(%dma_wait3A_104 : memref<80xi32, #tpu.memory_space<hbm>>) dst(%arg7 : memref<80xi32, #tpu.memory_space<vmem>>)
        tpu.yield
      }) : () -> ()
      "tpu.region"() ({
        %run_scoped3A = tpu.sem_alloc : memref<!tpu.dma_semaphore, #tpu.memory_space<semaphore_mem>>
        %dma_start3A_101 = arith.constant 0 : i32
        %dma_start3A_102 = arith.constant 0 : i32
        %dma_start3A_103 = tpu.memref_slice %arg14[%dma_start3A_101, %dma_start3A_102] : memref<288x128xf32, #tpu.memory_space<vmem_shared>> -> memref<288x128xf32, #tpu.memory_space<vmem_shared>>
        tpu.enqueue_indirect_dma source(%arg6 : memref<80x128xf32, #tpu.memory_space<vmem>>) target(%dma_start3A_103 : memref<288x128xf32, #tpu.memory_space<vmem_shared>>) offsets(%arg7 : memref<80xi32, #tpu.memory_space<vmem>>) semaphore(%run_scoped3A : memref<!tpu.dma_semaphore, #tpu.memory_space<semaphore_mem>>) {add = true}
        %dma_wait3A_104 = arith.constant 0 : i32
        %dma_wait3A_105 = arith.constant 0 : i32
        %dma_wait3A_106 = tpu.memref_slice %arg14[%dma_wait3A_104, %dma_wait3A_105] : memref<288x128xf32, #tpu.memory_space<vmem_shared>> -> memref<288x128xf32, #tpu.memory_space<vmem_shared>>
        tpu.wait_indirect_dma semaphore(%run_scoped3A : memref<!tpu.dma_semaphore, #tpu.memory_space<semaphore_mem>>) src(%arg6 : memref<80x128xf32, #tpu.memory_space<vmem>>) dst(%dma_wait3A_106 : memref<288x128xf32, #tpu.memory_space<vmem_shared>>)
        tpu.yield
      }) : () -> ()
    } else {
    }
    %barrier3A_91 = arith.constant 0 : index
    tpu.barrier barrier_id(%barrier3A_91)
    %eq3A_92 = arith.constant 0 : i32
    %eq3A_93 = arith.cmpi eq, %arg1, %eq3A_92 : i32
    %convert_element_type3A_94 = arith.extui %eq3A_93 : i1 to i32
    %cond3A_95 = arith.constant 0 : i32
    %cond3A_96 = arith.cmpi ne, %convert_element_type3A_94, %cond3A_95 : i32
    scf.if %cond3A_96 {
      "tpu.region"() ({
        %run_scoped3A = tpu.sem_alloc : memref<!tpu.dma_semaphore, #tpu.memory_space<semaphore_mem>>
        %dma_start3A_97 = arith.constant 0 : i32
        %dma_start3A_98 = arith.constant 0 : i32
        %dma_start3A_99 = tpu.memref_slice %arg5[%arg0, %dma_start3A_97, %dma_start3A_98] : memref<2x288x128xf32, #tpu.memory_space<hbm>> -> memref<1x288x128xf32, #tpu.memory_space<hbm>>
        %dma_start3A_100 = tpu.memref_squeeze %dma_start3A_99 : memref<1x288x128xf32, #tpu.memory_space<hbm>> -> memref<288x128xf32, #tpu.memory_space<hbm>>
        tpu.enqueue_dma source(%arg14 : memref<288x128xf32, #tpu.memory_space<vmem_shared>>) target(%dma_start3A_100 : memref<288x128xf32, #tpu.memory_space<hbm>>) target_semaphore(%run_scoped3A : memref<!tpu.dma_semaphore, #tpu.memory_space<semaphore_mem>>)
        %dma_wait3A_101 = arith.constant 0 : i32
        %dma_wait3A_102 = arith.constant 0 : i32
        %dma_wait3A_103 = tpu.memref_slice %arg5[%arg0, %dma_wait3A_101, %dma_wait3A_102] : memref<2x288x128xf32, #tpu.memory_space<hbm>> -> memref<1x288x128xf32, #tpu.memory_space<hbm>>
        %dma_wait3A_104 = tpu.memref_squeeze %dma_wait3A_103 : memref<1x288x128xf32, #tpu.memory_space<hbm>> -> memref<288x128xf32, #tpu.memory_space<hbm>>
        tpu.wait_dma2 semaphore(%run_scoped3A : memref<!tpu.dma_semaphore, #tpu.memory_space<semaphore_mem>>) src(%arg14 : memref<288x128xf32, #tpu.memory_space<vmem_shared>>) dst(%dma_wait3A_104 : memref<288x128xf32, #tpu.memory_space<hbm>>)
        tpu.yield
      }) : () -> ()
    } else {
    }
    return
  }
}

module attributes {stable_mosaic.version = 14 : i64} {
  func.func @_tc_body(%arg0: i32, %arg1: memref<50xi32, #tpu.memory_space<smem>>, %arg2: memref<50xi32, #tpu.memory_space<smem>>, %arg3: memref<10000x128xf32, #tpu.memory_space<vmem>>, %arg4: memref<384x1xi32, #tpu.memory_space<vmem>>, %arg5: memref<2x288x128xf32, #tpu.memory_space<vmem>>, %arg6: memref<128x128xf32, #tpu.memory_space<vmem>>, %arg7: memref<128xf32, #tpu.memory_space<vmem>>, %arg8: memref<128x64xf32, #tpu.memory_space<vmem>>, %arg9: memref<64xf32, #tpu.memory_space<vmem>>, %arg10: memref<64x1xf32, #tpu.memory_space<vmem>>, %arg11: memref<1xf32, #tpu.memory_space<vmem>>, %arg12: memref<256x128xf32, #tpu.memory_space<vmem>>, %arg13: memref<128xf32, #tpu.memory_space<vmem>>, %arg14: memref<128x10xf32, #tpu.memory_space<vmem>>, %arg15: memref<10xf32, #tpu.memory_space<vmem>>, %arg16: memref<256x10xf32, #tpu.memory_space<vmem>>, %arg17: memref<288x128xf32, #tpu.memory_space<vmem>>, %arg18: memref<288x10xf32, #tpu.memory_space<vmem>>) attributes {dimension_semantics = [#tpu.dimension_semantics<arbitrary>], iteration_bounds = array<i64: 10>, scalar_prefetch = 2 : i64, scratch_operands = 2 : i64, tpu.core_type = #tpu.core_type<tc>, window_params = [{transform_indices = @transform_0, window_bounds = array<i64: 10000, 128>}, {pipeline_mode = #tpu.pipeline_mode<synchronous>, transform_indices = @transform_1, window_bounds = array<i64: 384, 1>}, {pipeline_mode = #tpu.pipeline_mode<synchronous>, transform_indices = @transform_2, window_bounds = array<i64: 2, 288, 128>}, {pipeline_mode = #tpu.pipeline_mode<synchronous>, transform_indices = @transform_3, window_bounds = array<i64: 128, 128>}, {pipeline_mode = #tpu.pipeline_mode<synchronous>, transform_indices = @transform_4, window_bounds = array<i64: 128>}, {pipeline_mode = #tpu.pipeline_mode<synchronous>, transform_indices = @transform_5, window_bounds = array<i64: 128, 64>}, {pipeline_mode = #tpu.pipeline_mode<synchronous>, transform_indices = @transform_6, window_bounds = array<i64: 64>}, {pipeline_mode = #tpu.pipeline_mode<synchronous>, transform_indices = @transform_7, window_bounds = array<i64: 64, 1>}, {pipeline_mode = #tpu.pipeline_mode<synchronous>, transform_indices = @transform_8, window_bounds = array<i64: 1>}, {pipeline_mode = #tpu.pipeline_mode<synchronous>, transform_indices = @transform_9, window_bounds = array<i64: 256, 128>}, {pipeline_mode = #tpu.pipeline_mode<synchronous>, transform_indices = @transform_10, window_bounds = array<i64: 128>}, {pipeline_mode = #tpu.pipeline_mode<synchronous>, transform_indices = @transform_11, window_bounds = array<i64: 128, 10>}, {pipeline_mode = #tpu.pipeline_mode<synchronous>, transform_indices = @transform_12, window_bounds = array<i64: 10>}, {pipeline_mode = #tpu.pipeline_mode<synchronous>, transform_indices = @transform_13, window_bounds = array<i64: 256, 10>}]} {
    %eq3A = arith.constant 0 : i32
    %eq3A_0 = arith.cmpi eq, %arg0, %eq3A : i32
    %convert_element_type3A = arith.extui %eq3A_0 : i1 to i32
    %cond3A = arith.constant 0 : i32
    %cond3A_1 = arith.cmpi ne, %convert_element_type3A, %cond3A : i32
    scf.if %cond3A_1 {
      %get3A_610 = arith.constant 0 : index
      %get3A_611 = arith.constant 0 : index
      %get3A_612 = arith.constant 0 : index
      %get3A_613 = vector.load %arg5[%get3A_610, %get3A_611, %get3A_612] : memref<2x288x128xf32, #tpu.memory_space<vmem>>, vector<1x288x128xf32>
      %get3A_614 = vector.shape_cast %get3A_613 : vector<1x288x128xf32> to vector<288x128xf32>
      %get3A_615 = arith.constant 1 : index
      %get3A_616 = arith.constant 0 : index
      %get3A_617 = arith.constant 0 : index
      %get3A_618 = vector.load %arg5[%get3A_615, %get3A_616, %get3A_617] : memref<2x288x128xf32, #tpu.memory_space<vmem>>, vector<1x288x128xf32>
      %get3A_619 = vector.shape_cast %get3A_618 : vector<1x288x128xf32> to vector<288x128xf32>
      %add3A_620 = arith.addf %get3A_614, %get3A_619 : vector<288x128xf32>
      %get3A_621 = arith.constant 128 : index
      %get3A_622 = arith.constant 0 : index
      %get3A_623 = vector.load %arg12[%get3A_621, %get3A_622] : memref<256x128xf32, #tpu.memory_space<vmem>>, vector<128x128xf32>
      %dot_general3A_624 = arith.constant dense<0.000000e+00> : vector<288x128xf32>
      %dot_general3A_625 = tpu.matmul %add3A_620, %get3A_623, %dot_general3A_624 {dimension_numbers = #tpu.dot_dimension_numbers<[1], [0], [0], [1], [0, 0, 1, 1], [], []>, transpose_lhs_hint = false} : vector<288x128xf32>, vector<128x128xf32>, vector<288x128xf32> -> vector<288x128xf32>
      %get3A_626 = arith.constant 0 : index
      %get3A_627 = vector.load %arg13[%get3A_626] : memref<128xf32, #tpu.memory_space<vmem>>, vector<128xf32>
      %broadcast_in_dim3A_628 = vector.shape_cast %get3A_627 : vector<128xf32> to vector<1x128xf32>
      %add3A_629 = vector.broadcast %broadcast_in_dim3A_628 : vector<1x128xf32> to vector<288x128xf32>
      %add3A_630 = arith.addf %dot_general3A_625, %add3A_629 : vector<288x128xf32>
      %swap3A = arith.constant 0 : index
      %swap3A_631 = arith.constant 0 : index
      %swap3A_632 = vector.load %arg17[%swap3A, %swap3A_631] : memref<288x128xf32, #tpu.memory_space<vmem>>, vector<288x128xf32>
      tpu.vector_store %arg17[%swap3A, %swap3A_631], %add3A_630 {strides = array<i32>} : memref<288x128xf32, #tpu.memory_space<vmem>>, vector<288x128xf32>,
      %broadcast_in_dim3A_633 = arith.constant 0.000000e+00 : f32
      %broadcast_in_dim3A_634 = vector.broadcast %broadcast_in_dim3A_633 : f32 to vector<288x10xf32>
      %swap3A_635 = arith.constant 0 : index
      %swap3A_636 = arith.constant 0 : index
      %swap3A_637 = vector.load %arg18[%swap3A_635, %swap3A_636] : memref<288x10xf32, #tpu.memory_space<vmem>>, vector<288x10xf32>
      tpu.vector_store %arg18[%swap3A_635, %swap3A_636], %broadcast_in_dim3A_634 {strides = array<i32>} : memref<288x10xf32, #tpu.memory_space<vmem>>, vector<288x10xf32>,
    } else {
    }
    %mul3A = arith.constant 5 : i32
    %mul3A_2 = arith.muli %arg0, %mul3A : i32
    %add3A = arith.constant 0 : i32
    %add3A_3 = arith.addi %mul3A_2, %add3A : i32
    %mul3A_4 = arith.constant 10000 : i32
    %mul3A_5 = arith.muli %arg0, %mul3A_4 : i32
    %add3A_6 = arith.constant 0 : i32
    %add3A_7 = arith.addi %mul3A_5, %add3A_6 : i32
    %get3A = arith.constant 0 : index
    %get3A_8 = arith.constant 0 : index
    %get3A_9 = vector.load %arg3[%get3A, %get3A_8] : memref<10000x128xf32, #tpu.memory_space<vmem>>, vector<2000x128xf32>
    %get3A_10 = arith.constant 0 : index
    %get3A_11 = arith.constant 0 : index
    %get3A_12 = vector.load %arg6[%get3A_10, %get3A_11] : memref<128x128xf32, #tpu.memory_space<vmem>>, vector<128x128xf32>
    %dot_general3A = arith.constant dense<0.000000e+00> : vector<2000x128xf32>
    %dot_general3A_13 = tpu.matmul %get3A_9, %get3A_12, %dot_general3A {dimension_numbers = #tpu.dot_dimension_numbers<[1], [0], [0], [1], [0, 0, 1, 1], [], []>, transpose_lhs_hint = false} : vector<2000x128xf32>, vector<128x128xf32>, vector<2000x128xf32> -> vector<2000x128xf32>
    %get3A_14 = arith.constant 0 : index
    %get3A_15 = vector.load %arg7[%get3A_14] : memref<128xf32, #tpu.memory_space<vmem>>, vector<128xf32>
    %broadcast_in_dim3A = vector.shape_cast %get3A_15 : vector<128xf32> to vector<1x128xf32>
    %add3A_16 = vector.broadcast %broadcast_in_dim3A : vector<1x128xf32> to vector<2000x128xf32>
    %add3A_17 = arith.addf %dot_general3A_13, %add3A_16 : vector<2000x128xf32>
    %max3A = arith.constant 0.000000e+00 : f32
    %max3A_18 = vector.broadcast %max3A : f32 to vector<2000x128xf32>
    %max3A_19 = arith.maximumf %add3A_17, %max3A_18 : vector<2000x128xf32>
    %get3A_20 = arith.constant 0 : index
    %get3A_21 = arith.constant 0 : index
    %get3A_22 = vector.load %arg8[%get3A_20, %get3A_21] : memref<128x64xf32, #tpu.memory_space<vmem>>, vector<128x64xf32>
    %dot_general3A_23 = arith.constant dense<0.000000e+00> : vector<2000x64xf32>
    %dot_general3A_24 = tpu.matmul %max3A_19, %get3A_22, %dot_general3A_23 {dimension_numbers = #tpu.dot_dimension_numbers<[1], [0], [0], [1], [0, 0, 1, 1], [], []>, transpose_lhs_hint = false} : vector<2000x128xf32>, vector<128x64xf32>, vector<2000x64xf32> -> vector<2000x64xf32>
    %get3A_25 = arith.constant 0 : index
    %get3A_26 = vector.load %arg9[%get3A_25] : memref<64xf32, #tpu.memory_space<vmem>>, vector<64xf32>
    %broadcast_in_dim3A_27 = vector.shape_cast %get3A_26 : vector<64xf32> to vector<1x64xf32>
    %add3A_28 = vector.broadcast %broadcast_in_dim3A_27 : vector<1x64xf32> to vector<2000x64xf32>
    %add3A_29 = arith.addf %dot_general3A_24, %add3A_28 : vector<2000x64xf32>
    %max3A_30 = arith.constant 0.000000e+00 : f32
    %max3A_31 = vector.broadcast %max3A_30 : f32 to vector<2000x64xf32>
    %max3A_32 = arith.maximumf %add3A_29, %max3A_31 : vector<2000x64xf32>
    %get3A_33 = arith.constant 0 : index
    %get3A_34 = arith.constant 0 : index
    %get3A_35 = vector.load %arg10[%get3A_33, %get3A_34] : memref<64x1xf32, #tpu.memory_space<vmem>>, vector<64x1xf32>
    %dot_general3A_36 = arith.constant dense<0.000000e+00> : vector<2000x1xf32>
    %dot_general3A_37 = tpu.matmul %max3A_32, %get3A_35, %dot_general3A_36 {dimension_numbers = #tpu.dot_dimension_numbers<[1], [0], [0], [1], [0, 0, 1, 1], [], []>, transpose_lhs_hint = false} : vector<2000x64xf32>, vector<64x1xf32>, vector<2000x1xf32> -> vector<2000x1xf32>
    %get3A_38 = arith.constant 0 : index
    %get3A_39 = vector.load %arg11[%get3A_38] : memref<1xf32, #tpu.memory_space<vmem>>, vector<1xf32>
    %broadcast_in_dim3A_40 = vector.shape_cast %get3A_39 : vector<1xf32> to vector<1x1xf32>
    %add3A_41 = vector.broadcast %broadcast_in_dim3A_40 : vector<1x1xf32> to vector<2000x1xf32>
    %add3A_42 = arith.addf %dot_general3A_37, %add3A_41 : vector<2000x1xf32>
    %transpose3A = tpu.transpose %add3A_42, [1, 0] : vector<2000x1xf32> -> vector<1x2000xf32>
    %get3A_43 = arith.constant 0 : index
    %get3A_44 = arith.constant 0 : index
    %get3A_45 = vector.load %arg12[%get3A_43, %get3A_44] : memref<256x128xf32, #tpu.memory_space<vmem>>, vector<128x128xf32>
    %dot_general3A_46 = arith.constant dense<0.000000e+00> : vector<2000x128xf32>
    %dot_general3A_47 = tpu.matmul %get3A_9, %get3A_45, %dot_general3A_46 {dimension_numbers = #tpu.dot_dimension_numbers<[1], [0], [0], [1], [0, 0, 1, 1], [], []>, transpose_lhs_hint = false} : vector<2000x128xf32>, vector<128x128xf32>, vector<2000x128xf32> -> vector<2000x128xf32>
    %get3A_48 = arith.index_cast %add3A_3 : i32 to index
    %get3A_49 = memref.load %arg1[%get3A_48] : memref<50xi32, #tpu.memory_space<smem>>
    %get3A_50 = arith.index_cast %add3A_3 : i32 to index
    %get3A_51 = memref.load %arg2[%get3A_50] : memref<50xi32, #tpu.memory_space<smem>>
    %sub3A = arith.subi %get3A_51, %get3A_49 : i32
    %jit3A = arith.constant 32 : i32
    %div3A = arith.divsi %sub3A, %jit3A : i32
    %sign3A = arith.constant 0 : i32
    %sign3A_52 = arith.cmpi sgt, %sub3A, %sign3A : i32
    %sign3A_53 = arith.extui %sign3A_52 : i1 to i32
    %sign3A_54 = arith.constant 0 : i32
    %sign3A_55 = arith.cmpi slt, %sub3A, %sign3A_54 : i32
    %sign3A_56 = arith.extui %sign3A_55 : i1 to i32
    %sign3A_57 = arith.subi %sign3A_53, %sign3A_56 : i32
    %sign3A_58 = arith.constant 0 : i32
    %sign3A_59 = arith.cmpi sgt, %jit3A, %sign3A_58 : i32
    %sign3A_60 = arith.extui %sign3A_59 : i1 to i32
    %sign3A_61 = arith.constant 0 : i32
    %sign3A_62 = arith.cmpi slt, %jit3A, %sign3A_61 : i32
    %sign3A_63 = arith.extui %sign3A_62 : i1 to i32
    %sign3A_64 = arith.subi %sign3A_60, %sign3A_63 : i32
    %ne3A = arith.cmpi ne, %sign3A_57, %sign3A_64 : i32
    %rem3A = arith.remsi %sub3A, %jit3A : i32
    %ne3A_65 = arith.constant 0 : i32
    %ne3A_66 = arith.cmpi ne, %rem3A, %ne3A_65 : i32
    %and3A = arith.andi %ne3A, %ne3A_66 : i1
    %sub3A_67 = arith.constant 1 : i32
    %sub3A_68 = arith.subi %div3A, %sub3A_67 : i32
    %select_n3A = arith.select %and3A, %sub3A_68, %div3A : i32
    %add3A_69 = arith.constant 1 : i32
    %add3A_70 = arith.addi %select_n3A, %add3A_69 : i32
    %iota3A = tpu.iota {dimensions = array<i32: 0>} : vector<2000x1xi32>
    %add3A_71 = vector.broadcast %add3A_7 : i32 to vector<2000x1xi32>
    %add3A_72 = arith.addi %add3A_71, %iota3A : vector<2000x1xi32>
    %iota3A_73 = tpu.iota {dimensions = array<i32: 1>} : vector<1x2000xi32>
    %add3A_74 = vector.broadcast %add3A_7 : i32 to vector<1x2000xi32>
    %add3A_75 = arith.addi %add3A_74, %iota3A_73 : vector<1x2000xi32>
    %while3A = arith.constant 0 : i32
    %while3A_76 = arith.subi %add3A_70, %while3A : i32
    %while3A_77 = arith.addi %while3A, %while3A_76 : i32
    %while3A_78 = arith.constant 1 : i32
    %while3A_79 = arith.divsi %while3A_76, %while3A_78 : i32
    %while3A_80 = arith.muli %while3A_79, %while3A_78 : i32
    %while3A_81 = arith.addi %while3A, %while3A_80 : i32
    %while3A_82 = arith.constant 1 : i32
    %while3A_83 = scf.for %while3A_610 = %while3A to %while3A_81 step %while3A_82 iter_args(%while3A_611 = %dot_general3A_47) -> (vector<2000x128xf32>)  : i32 {
      %mul3A_612 = arith.constant 32 : i32
      %mul3A_613 = arith.muli %while3A_610, %mul3A_612 : i32
      %add3A_614 = arith.addi %get3A_49, %mul3A_613 : i32
      %get3A_615 = arith.index_cast %add3A_614 : i32 to index
      %get3A_616 = arith.constant 0 : index
      %get3A_617 = vector.load %arg4[%get3A_615, %get3A_616] : memref<384x1xi32, #tpu.memory_space<vmem>>, vector<32x1xi32>
      %transpose3A_618 = tpu.transpose %get3A_617, [1, 0] : vector<32x1xi32> -> vector<1x32xi32>
      %add3A_619 = arith.constant 1 : i32
      %add3A_620 = arith.addi %add3A_614, %add3A_619 : i32
      %get3A_621 = arith.index_cast %add3A_620 : i32 to index
      %get3A_622 = arith.constant 0 : index
      %get3A_623 = vector.load %arg4[%get3A_621, %get3A_622] : memref<384x1xi32, #tpu.memory_space<vmem>>, vector<32x1xi32>
      %transpose3A_624 = tpu.transpose %get3A_623, [1, 0] : vector<32x1xi32> -> vector<1x32xi32>
      %ge3A = vector.broadcast %add3A_72 : vector<2000x1xi32> to vector<2000x32xi32>
      %ge3A_625 = vector.broadcast %transpose3A_618 : vector<1x32xi32> to vector<2000x32xi32>
      %ge3A_626 = arith.cmpi sge, %ge3A, %ge3A_625 : vector<2000x32xi32>
      %lt3A = vector.broadcast %add3A_72 : vector<2000x1xi32> to vector<2000x32xi32>
      %lt3A_627 = vector.broadcast %transpose3A_624 : vector<1x32xi32> to vector<2000x32xi32>
      %lt3A_628 = arith.cmpi slt, %lt3A, %lt3A_627 : vector<2000x32xi32>
      %and3A_629 = arith.andi %ge3A_626, %lt3A_628 : vector<2000x32xi1>
      %convert_element_type3A_630 = arith.extui %and3A_629 : vector<2000x32xi1> to vector<2000x32xi32>
      %convert_element_type3A_631 = arith.sitofp %convert_element_type3A_630 : vector<2000x32xi32> to vector<2000x32xf32>
      %get3A_632 = arith.index_cast %add3A_614 : i32 to index
      %get3A_633 = arith.constant 0 : index
      %get3A_634 = vector.load %arg17[%get3A_632, %get3A_633] : memref<288x128xf32, #tpu.memory_space<vmem>>, vector<32x128xf32>
      %dot_general3A_635 = arith.constant dense<0.000000e+00> : vector<2000x128xf32>
      %dot_general3A_636 = tpu.matmul %convert_element_type3A_631, %get3A_634, %dot_general3A_635 {dimension_numbers = #tpu.dot_dimension_numbers<[1], [0], [0], [1], [0, 0, 1, 1], [], []>, transpose_lhs_hint = false} : vector<2000x32xf32>, vector<32x128xf32>, vector<2000x128xf32> -> vector<2000x128xf32>
      %add3A_637 = arith.addf %while3A_611, %dot_general3A_636 : vector<2000x128xf32>
      scf.yield %add3A_637 : vector<2000x128xf32>
    }
    %while3A_84 = arith.constant 1 : i32
    %while3A_85 = scf.for %while3A_610 = %while3A_81 to %while3A_77 step %while3A_84 iter_args(%while3A_611 = %while3A_83) -> (vector<2000x128xf32>)  : i32 {
      %mul3A_612 = arith.constant 32 : i32
      %mul3A_613 = arith.muli %while3A_610, %mul3A_612 : i32
      %add3A_614 = arith.addi %get3A_49, %mul3A_613 : i32
      %get3A_615 = arith.index_cast %add3A_614 : i32 to index
      %get3A_616 = arith.constant 0 : index
      %get3A_617 = vector.load %arg4[%get3A_615, %get3A_616] : memref<384x1xi32, #tpu.memory_space<vmem>>, vector<32x1xi32>
      %transpose3A_618 = tpu.transpose %get3A_617, [1, 0] : vector<32x1xi32> -> vector<1x32xi32>
      %add3A_619 = arith.constant 1 : i32
      %add3A_620 = arith.addi %add3A_614, %add3A_619 : i32
      %get3A_621 = arith.index_cast %add3A_620 : i32 to index
      %get3A_622 = arith.constant 0 : index
      %get3A_623 = vector.load %arg4[%get3A_621, %get3A_622] : memref<384x1xi32, #tpu.memory_space<vmem>>, vector<32x1xi32>
      %transpose3A_624 = tpu.transpose %get3A_623, [1, 0] : vector<32x1xi32> -> vector<1x32xi32>
      %ge3A = vector.broadcast %add3A_72 : vector<2000x1xi32> to vector<2000x32xi32>
      %ge3A_625 = vector.broadcast %transpose3A_618 : vector<1x32xi32> to vector<2000x32xi32>
      %ge3A_626 = arith.cmpi sge, %ge3A, %ge3A_625 : vector<2000x32xi32>
      %lt3A = vector.broadcast %add3A_72 : vector<2000x1xi32> to vector<2000x32xi32>
      %lt3A_627 = vector.broadcast %transpose3A_624 : vector<1x32xi32> to vector<2000x32xi32>
      %lt3A_628 = arith.cmpi slt, %lt3A, %lt3A_627 : vector<2000x32xi32>
      %and3A_629 = arith.andi %ge3A_626, %lt3A_628 : vector<2000x32xi1>
      %convert_element_type3A_630 = arith.extui %and3A_629 : vector<2000x32xi1> to vector<2000x32xi32>
      %convert_element_type3A_631 = arith.sitofp %convert_element_type3A_630 : vector<2000x32xi32> to vector<2000x32xf32>
      %get3A_632 = arith.index_cast %add3A_614 : i32 to index
      %get3A_633 = arith.constant 0 : index
      %get3A_634 = vector.load %arg17[%get3A_632, %get3A_633] : memref<288x128xf32, #tpu.memory_space<vmem>>, vector<32x128xf32>
      %dot_general3A_635 = arith.constant dense<0.000000e+00> : vector<2000x128xf32>
      %dot_general3A_636 = tpu.matmul %convert_element_type3A_631, %get3A_634, %dot_general3A_635 {dimension_numbers = #tpu.dot_dimension_numbers<[1], [0], [0], [1], [0, 0, 1, 1], [], []>, transpose_lhs_hint = false} : vector<2000x32xf32>, vector<32x128xf32>, vector<2000x128xf32> -> vector<2000x128xf32>
      %add3A_637 = arith.addf %while3A_611, %dot_general3A_636 : vector<2000x128xf32>
      scf.yield %add3A_637 : vector<2000x128xf32>
    }
    %max3A_86 = arith.constant 0.000000e+00 : f32
    %max3A_87 = vector.broadcast %max3A_86 : f32 to vector<2000x128xf32>
    %max3A_88 = arith.maximumf %while3A_85, %max3A_87 : vector<2000x128xf32>
    %get3A_89 = arith.constant 0 : index
    %get3A_90 = arith.constant 0 : index
    %get3A_91 = vector.load %arg14[%get3A_89, %get3A_90] : memref<128x10xf32, #tpu.memory_space<vmem>>, vector<128x10xf32>
    %dot_general3A_92 = arith.constant dense<0.000000e+00> : vector<2000x10xf32>
    %dot_general3A_93 = tpu.matmul %max3A_88, %get3A_91, %dot_general3A_92 {dimension_numbers = #tpu.dot_dimension_numbers<[1], [0], [0], [1], [0, 0, 1, 1], [], []>, transpose_lhs_hint = false} : vector<2000x128xf32>, vector<128x10xf32>, vector<2000x10xf32> -> vector<2000x10xf32>
    %get3A_94 = arith.constant 0 : index
    %get3A_95 = vector.load %arg15[%get3A_94] : memref<10xf32, #tpu.memory_space<vmem>>, vector<10xf32>
    %broadcast_in_dim3A_96 = vector.shape_cast %get3A_95 : vector<10xf32> to vector<1x10xf32>
    %add3A_97 = vector.broadcast %broadcast_in_dim3A_96 : vector<1x10xf32> to vector<2000x10xf32>
    %add3A_98 = arith.addf %dot_general3A_93, %add3A_97 : vector<2000x10xf32>
    %while3A_99 = arith.constant 0 : i32
    %while3A_100 = arith.constant 0 : i32
    %while3A_101 = arith.subi %add3A_70, %while3A_100 : i32
    %while3A_102 = arith.addi %while3A_100, %while3A_101 : i32
    %while3A_103 = arith.constant 1 : i32
    %while3A_104 = arith.divsi %while3A_101, %while3A_103 : i32
    %while3A_105 = arith.muli %while3A_104, %while3A_103 : i32
    %while3A_106 = arith.addi %while3A_100, %while3A_105 : i32
    %while3A_107 = arith.constant 1 : i32
    scf.for %while3A_610 = %while3A_100 to %while3A_106 step %while3A_107  : i32 {
      %mul3A_611 = arith.constant 32 : i32
      %mul3A_612 = arith.muli %while3A_610, %mul3A_611 : i32
      %add3A_613 = arith.addi %get3A_49, %mul3A_612 : i32
      %get3A_614 = arith.index_cast %add3A_613 : i32 to index
      %get3A_615 = arith.constant 0 : index
      %get3A_616 = vector.load %arg4[%get3A_614, %get3A_615] : memref<384x1xi32, #tpu.memory_space<vmem>>, vector<32x1xi32>
      %add3A_617 = arith.constant 1 : i32
      %add3A_618 = arith.addi %add3A_613, %add3A_617 : i32
      %get3A_619 = arith.index_cast %add3A_618 : i32 to index
      %get3A_620 = arith.constant 0 : index
      %get3A_621 = vector.load %arg4[%get3A_619, %get3A_620] : memref<384x1xi32, #tpu.memory_space<vmem>>, vector<32x1xi32>
      %ge3A = vector.broadcast %add3A_75 : vector<1x2000xi32> to vector<32x2000xi32>
      %ge3A_622 = vector.broadcast %get3A_616 : vector<32x1xi32> to vector<32x2000xi32>
      %ge3A_623 = arith.cmpi sge, %ge3A, %ge3A_622 : vector<32x2000xi32>
      %lt3A = vector.broadcast %add3A_75 : vector<1x2000xi32> to vector<32x2000xi32>
      %lt3A_624 = vector.broadcast %get3A_621 : vector<32x1xi32> to vector<32x2000xi32>
      %lt3A_625 = arith.cmpi slt, %lt3A, %lt3A_624 : vector<32x2000xi32>
      %and3A_626 = arith.andi %ge3A_623, %lt3A_625 : vector<32x2000xi1>
      %jit3A_627 = arith.constant 0.000000e+00 : f32
      %broadcast_in_dim3A_628 = vector.shape_cast %transpose3A : vector<1x2000xf32> to vector<1x2000xf32>
      %broadcast_in_dim3A_629 = vector.broadcast %broadcast_in_dim3A_628 : vector<1x2000xf32> to vector<32x2000xf32>
      %broadcast_in_dim3A_630 = vector.broadcast %jit3A_627 : f32 to vector<32x2000xf32>
      %select_n3A_631 = arith.select %and3A_626, %broadcast_in_dim3A_629, %broadcast_in_dim3A_630 : vector<32x2000xi1>, vector<32x2000xf32>
      %get3A_632 = arith.index_cast %add3A_613 : i32 to index
      %get3A_633 = arith.constant 0 : index
      %get3A_634 = vector.load %arg18[%get3A_632, %get3A_633] : memref<288x10xf32, #tpu.memory_space<vmem>>, vector<32x10xf32>
      %dot_general3A_635 = arith.constant dense<0.000000e+00> : vector<32x10xf32>
      %dot_general3A_636 = tpu.matmul %select_n3A_631, %add3A_98, %dot_general3A_635 {dimension_numbers = #tpu.dot_dimension_numbers<[1], [0], [0], [1], [0, 0, 1, 1], [], []>, transpose_lhs_hint = false} : vector<32x2000xf32>, vector<2000x10xf32>, vector<32x10xf32> -> vector<32x10xf32>
      %add3A_637 = arith.addf %get3A_634, %dot_general3A_636 : vector<32x10xf32>
      %swap3A = arith.index_cast %add3A_613 : i32 to index
      %swap3A_638 = arith.constant 0 : index
      %swap3A_639 = vector.load %arg18[%swap3A, %swap3A_638] : memref<288x10xf32, #tpu.memory_space<vmem>>, vector<32x10xf32>
      tpu.vector_store %arg18[%swap3A, %swap3A_638], %add3A_637 {strides = array<i32>} : memref<288x10xf32, #tpu.memory_space<vmem>>, vector<32x10xf32>,
    }
    %while3A_108 = arith.constant 1 : i32
    scf.for %while3A_610 = %while3A_106 to %while3A_102 step %while3A_108  : i32 {
      %mul3A_611 = arith.constant 32 : i32
      %mul3A_612 = arith.muli %while3A_610, %mul3A_611 : i32
      %add3A_613 = arith.addi %get3A_49, %mul3A_612 : i32
      %get3A_614 = arith.index_cast %add3A_613 : i32 to index
      %get3A_615 = arith.constant 0 : index
      %get3A_616 = vector.load %arg4[%get3A_614, %get3A_615] : memref<384x1xi32, #tpu.memory_space<vmem>>, vector<32x1xi32>
      %add3A_617 = arith.constant 1 : i32
      %add3A_618 = arith.addi %add3A_613, %add3A_617 : i32
      %get3A_619 = arith.index_cast %add3A_618 : i32 to index
      %get3A_620 = arith.constant 0 : index
      %get3A_621 = vector.load %arg4[%get3A_619, %get3A_620] : memref<384x1xi32, #tpu.memory_space<vmem>>, vector<32x1xi32>
      %ge3A = vector.broadcast %add3A_75 : vector<1x2000xi32> to vector<32x2000xi32>
      %ge3A_622 = vector.broadcast %get3A_616 : vector<32x1xi32> to vector<32x2000xi32>
      %ge3A_623 = arith.cmpi sge, %ge3A, %ge3A_622 : vector<32x2000xi32>
      %lt3A = vector.broadcast %add3A_75 : vector<1x2000xi32> to vector<32x2000xi32>
      %lt3A_624 = vector.broadcast %get3A_621 : vector<32x1xi32> to vector<32x2000xi32>
      %lt3A_625 = arith.cmpi slt, %lt3A, %lt3A_624 : vector<32x2000xi32>
      %and3A_626 = arith.andi %ge3A_623, %lt3A_625 : vector<32x2000xi1>
      %jit3A_627 = arith.constant 0.000000e+00 : f32
      %broadcast_in_dim3A_628 = vector.shape_cast %transpose3A : vector<1x2000xf32> to vector<1x2000xf32>
      %broadcast_in_dim3A_629 = vector.broadcast %broadcast_in_dim3A_628 : vector<1x2000xf32> to vector<32x2000xf32>
      %broadcast_in_dim3A_630 = vector.broadcast %jit3A_627 : f32 to vector<32x2000xf32>
      %select_n3A_631 = arith.select %and3A_626, %broadcast_in_dim3A_629, %broadcast_in_dim3A_630 : vector<32x2000xi1>, vector<32x2000xf32>
      %get3A_632 = arith.index_cast %add3A_613 : i32 to index
      %get3A_633 = arith.constant 0 : index
      %get3A_634 = vector.load %arg18[%get3A_632, %get3A_633] : memref<288x10xf32, #tpu.memory_space<vmem>>, vector<32x10xf32>
      %dot_general3A_635 = arith.constant dense<0.000000e+00> : vector<32x10xf32>
      %dot_general3A_636 = tpu.matmul %select_n3A_631, %add3A_98, %dot_general3A_635 {dimension_numbers = #tpu.dot_dimension_numbers<[1], [0], [0], [1], [0, 0, 1, 1], [], []>, transpose_lhs_hint = false} : vector<32x2000xf32>, vector<2000x10xf32>, vector<32x10xf32> -> vector<32x10xf32>
      %add3A_637 = arith.addf %get3A_634, %dot_general3A_636 : vector<32x10xf32>
      %swap3A = arith.index_cast %add3A_613 : i32 to index
      %swap3A_638 = arith.constant 0 : index
      %swap3A_639 = vector.load %arg18[%swap3A, %swap3A_638] : memref<288x10xf32, #tpu.memory_space<vmem>>, vector<32x10xf32>
      tpu.vector_store %arg18[%swap3A, %swap3A_638], %add3A_637 {strides = array<i32>} : memref<288x10xf32, #tpu.memory_space<vmem>>, vector<32x10xf32>,
    }
    %mul3A_109 = arith.constant 5 : i32
    %mul3A_110 = arith.muli %arg0, %mul3A_109 : i32
    %add3A_111 = arith.constant 1 : i32
    %add3A_112 = arith.addi %mul3A_110, %add3A_111 : i32
    %mul3A_113 = arith.constant 10000 : i32
    %mul3A_114 = arith.muli %arg0, %mul3A_113 : i32
    %add3A_115 = arith.constant 2000 : i32
    %add3A_116 = arith.addi %mul3A_114, %add3A_115 : i32
    %get3A_117 = arith.constant 2000 : index
    %get3A_118 = arith.constant 0 : index
    %get3A_119 = vector.load %arg3[%get3A_117, %get3A_118] : memref<10000x128xf32, #tpu.memory_space<vmem>>, vector<2000x128xf32>
    %get3A_120 = arith.constant 0 : index
    %get3A_121 = arith.constant 0 : index
    %get3A_122 = vector.load %arg6[%get3A_120, %get3A_121] : memref<128x128xf32, #tpu.memory_space<vmem>>, vector<128x128xf32>
    %dot_general3A_123 = arith.constant dense<0.000000e+00> : vector<2000x128xf32>
    %dot_general3A_124 = tpu.matmul %get3A_119, %get3A_122, %dot_general3A_123 {dimension_numbers = #tpu.dot_dimension_numbers<[1], [0], [0], [1], [0, 0, 1, 1], [], []>, transpose_lhs_hint = false} : vector<2000x128xf32>, vector<128x128xf32>, vector<2000x128xf32> -> vector<2000x128xf32>
    %get3A_125 = arith.constant 0 : index
    %get3A_126 = vector.load %arg7[%get3A_125] : memref<128xf32, #tpu.memory_space<vmem>>, vector<128xf32>
    %broadcast_in_dim3A_127 = vector.shape_cast %get3A_126 : vector<128xf32> to vector<1x128xf32>
    %add3A_128 = vector.broadcast %broadcast_in_dim3A_127 : vector<1x128xf32> to vector<2000x128xf32>
    %add3A_129 = arith.addf %dot_general3A_124, %add3A_128 : vector<2000x128xf32>
    %max3A_130 = arith.constant 0.000000e+00 : f32
    %max3A_131 = vector.broadcast %max3A_130 : f32 to vector<2000x128xf32>
    %max3A_132 = arith.maximumf %add3A_129, %max3A_131 : vector<2000x128xf32>
    %get3A_133 = arith.constant 0 : index
    %get3A_134 = arith.constant 0 : index
    %get3A_135 = vector.load %arg8[%get3A_133, %get3A_134] : memref<128x64xf32, #tpu.memory_space<vmem>>, vector<128x64xf32>
    %dot_general3A_136 = arith.constant dense<0.000000e+00> : vector<2000x64xf32>
    %dot_general3A_137 = tpu.matmul %max3A_132, %get3A_135, %dot_general3A_136 {dimension_numbers = #tpu.dot_dimension_numbers<[1], [0], [0], [1], [0, 0, 1, 1], [], []>, transpose_lhs_hint = false} : vector<2000x128xf32>, vector<128x64xf32>, vector<2000x64xf32> -> vector<2000x64xf32>
    %get3A_138 = arith.constant 0 : index
    %get3A_139 = vector.load %arg9[%get3A_138] : memref<64xf32, #tpu.memory_space<vmem>>, vector<64xf32>
    %broadcast_in_dim3A_140 = vector.shape_cast %get3A_139 : vector<64xf32> to vector<1x64xf32>
    %add3A_141 = vector.broadcast %broadcast_in_dim3A_140 : vector<1x64xf32> to vector<2000x64xf32>
    %add3A_142 = arith.addf %dot_general3A_137, %add3A_141 : vector<2000x64xf32>
    %max3A_143 = arith.constant 0.000000e+00 : f32
    %max3A_144 = vector.broadcast %max3A_143 : f32 to vector<2000x64xf32>
    %max3A_145 = arith.maximumf %add3A_142, %max3A_144 : vector<2000x64xf32>
    %get3A_146 = arith.constant 0 : index
    %get3A_147 = arith.constant 0 : index
    %get3A_148 = vector.load %arg10[%get3A_146, %get3A_147] : memref<64x1xf32, #tpu.memory_space<vmem>>, vector<64x1xf32>
    %dot_general3A_149 = arith.constant dense<0.000000e+00> : vector<2000x1xf32>
    %dot_general3A_150 = tpu.matmul %max3A_145, %get3A_148, %dot_general3A_149 {dimension_numbers = #tpu.dot_dimension_numbers<[1], [0], [0], [1], [0, 0, 1, 1], [], []>, transpose_lhs_hint = false} : vector<2000x64xf32>, vector<64x1xf32>, vector<2000x1xf32> -> vector<2000x1xf32>
    %get3A_151 = arith.constant 0 : index
    %get3A_152 = vector.load %arg11[%get3A_151] : memref<1xf32, #tpu.memory_space<vmem>>, vector<1xf32>
    %broadcast_in_dim3A_153 = vector.shape_cast %get3A_152 : vector<1xf32> to vector<1x1xf32>
    %add3A_154 = vector.broadcast %broadcast_in_dim3A_153 : vector<1x1xf32> to vector<2000x1xf32>
    %add3A_155 = arith.addf %dot_general3A_150, %add3A_154 : vector<2000x1xf32>
    %transpose3A_156 = tpu.transpose %add3A_155, [1, 0] : vector<2000x1xf32> -> vector<1x2000xf32>
    %get3A_157 = arith.constant 0 : index
    %get3A_158 = arith.constant 0 : index
    %get3A_159 = vector.load %arg12[%get3A_157, %get3A_158] : memref<256x128xf32, #tpu.memory_space<vmem>>, vector<128x128xf32>
    %dot_general3A_160 = arith.constant dense<0.000000e+00> : vector<2000x128xf32>
    %dot_general3A_161 = tpu.matmul %get3A_119, %get3A_159, %dot_general3A_160 {dimension_numbers = #tpu.dot_dimension_numbers<[1], [0], [0], [1], [0, 0, 1, 1], [], []>, transpose_lhs_hint = false} : vector<2000x128xf32>, vector<128x128xf32>, vector<2000x128xf32> -> vector<2000x128xf32>
    %get3A_162 = arith.index_cast %add3A_112 : i32 to index
    %get3A_163 = memref.load %arg1[%get3A_162] : memref<50xi32, #tpu.memory_space<smem>>
    %get3A_164 = arith.index_cast %add3A_112 : i32 to index
    %get3A_165 = memref.load %arg2[%get3A_164] : memref<50xi32, #tpu.memory_space<smem>>
    %sub3A_166 = arith.subi %get3A_165, %get3A_163 : i32
    %jit3A_167 = arith.constant 32 : i32
    %div3A_168 = arith.divsi %sub3A_166, %jit3A_167 : i32
    %sign3A_169 = arith.constant 0 : i32
    %sign3A_170 = arith.cmpi sgt, %sub3A_166, %sign3A_169 : i32
    %sign3A_171 = arith.extui %sign3A_170 : i1 to i32
    %sign3A_172 = arith.constant 0 : i32
    %sign3A_173 = arith.cmpi slt, %sub3A_166, %sign3A_172 : i32
    %sign3A_174 = arith.extui %sign3A_173 : i1 to i32
    %sign3A_175 = arith.subi %sign3A_171, %sign3A_174 : i32
    %sign3A_176 = arith.constant 0 : i32
    %sign3A_177 = arith.cmpi sgt, %jit3A_167, %sign3A_176 : i32
    %sign3A_178 = arith.extui %sign3A_177 : i1 to i32
    %sign3A_179 = arith.constant 0 : i32
    %sign3A_180 = arith.cmpi slt, %jit3A_167, %sign3A_179 : i32
    %sign3A_181 = arith.extui %sign3A_180 : i1 to i32
    %sign3A_182 = arith.subi %sign3A_178, %sign3A_181 : i32
    %ne3A_183 = arith.cmpi ne, %sign3A_175, %sign3A_182 : i32
    %rem3A_184 = arith.remsi %sub3A_166, %jit3A_167 : i32
    %ne3A_185 = arith.constant 0 : i32
    %ne3A_186 = arith.cmpi ne, %rem3A_184, %ne3A_185 : i32
    %and3A_187 = arith.andi %ne3A_183, %ne3A_186 : i1
    %sub3A_188 = arith.constant 1 : i32
    %sub3A_189 = arith.subi %div3A_168, %sub3A_188 : i32
    %select_n3A_190 = arith.select %and3A_187, %sub3A_189, %div3A_168 : i32
    %add3A_191 = arith.constant 1 : i32
    %add3A_192 = arith.addi %select_n3A_190, %add3A_191 : i32
    %iota3A_193 = tpu.iota {dimensions = array<i32: 0>} : vector<2000x1xi32>
    %add3A_194 = vector.broadcast %add3A_116 : i32 to vector<2000x1xi32>
    %add3A_195 = arith.addi %add3A_194, %iota3A_193 : vector<2000x1xi32>
    %iota3A_196 = tpu.iota {dimensions = array<i32: 1>} : vector<1x2000xi32>
    %add3A_197 = vector.broadcast %add3A_116 : i32 to vector<1x2000xi32>
    %add3A_198 = arith.addi %add3A_197, %iota3A_196 : vector<1x2000xi32>
    %while3A_199 = arith.constant 0 : i32
    %while3A_200 = arith.subi %add3A_192, %while3A_199 : i32
    %while3A_201 = arith.addi %while3A_199, %while3A_200 : i32
    %while3A_202 = arith.constant 1 : i32
    %while3A_203 = arith.divsi %while3A_200, %while3A_202 : i32
    %while3A_204 = arith.muli %while3A_203, %while3A_202 : i32
    %while3A_205 = arith.addi %while3A_199, %while3A_204 : i32
    %while3A_206 = arith.constant 1 : i32
    %while3A_207 = scf.for %while3A_610 = %while3A_199 to %while3A_205 step %while3A_206 iter_args(%while3A_611 = %dot_general3A_161) -> (vector<2000x128xf32>)  : i32 {
      %mul3A_612 = arith.constant 32 : i32
      %mul3A_613 = arith.muli %while3A_610, %mul3A_612 : i32
      %add3A_614 = arith.addi %get3A_163, %mul3A_613 : i32
      %get3A_615 = arith.index_cast %add3A_614 : i32 to index
      %get3A_616 = arith.constant 0 : index
      %get3A_617 = vector.load %arg4[%get3A_615, %get3A_616] : memref<384x1xi32, #tpu.memory_space<vmem>>, vector<32x1xi32>
      %transpose3A_618 = tpu.transpose %get3A_617, [1, 0] : vector<32x1xi32> -> vector<1x32xi32>
      %add3A_619 = arith.constant 1 : i32
      %add3A_620 = arith.addi %add3A_614, %add3A_619 : i32
      %get3A_621 = arith.index_cast %add3A_620 : i32 to index
      %get3A_622 = arith.constant 0 : index
      %get3A_623 = vector.load %arg4[%get3A_621, %get3A_622] : memref<384x1xi32, #tpu.memory_space<vmem>>, vector<32x1xi32>
      %transpose3A_624 = tpu.transpose %get3A_623, [1, 0] : vector<32x1xi32> -> vector<1x32xi32>
      %ge3A = vector.broadcast %add3A_195 : vector<2000x1xi32> to vector<2000x32xi32>
      %ge3A_625 = vector.broadcast %transpose3A_618 : vector<1x32xi32> to vector<2000x32xi32>
      %ge3A_626 = arith.cmpi sge, %ge3A, %ge3A_625 : vector<2000x32xi32>
      %lt3A = vector.broadcast %add3A_195 : vector<2000x1xi32> to vector<2000x32xi32>
      %lt3A_627 = vector.broadcast %transpose3A_624 : vector<1x32xi32> to vector<2000x32xi32>
      %lt3A_628 = arith.cmpi slt, %lt3A, %lt3A_627 : vector<2000x32xi32>
      %and3A_629 = arith.andi %ge3A_626, %lt3A_628 : vector<2000x32xi1>
      %convert_element_type3A_630 = arith.extui %and3A_629 : vector<2000x32xi1> to vector<2000x32xi32>
      %convert_element_type3A_631 = arith.sitofp %convert_element_type3A_630 : vector<2000x32xi32> to vector<2000x32xf32>
      %get3A_632 = arith.index_cast %add3A_614 : i32 to index
      %get3A_633 = arith.constant 0 : index
      %get3A_634 = vector.load %arg17[%get3A_632, %get3A_633] : memref<288x128xf32, #tpu.memory_space<vmem>>, vector<32x128xf32>
      %dot_general3A_635 = arith.constant dense<0.000000e+00> : vector<2000x128xf32>
      %dot_general3A_636 = tpu.matmul %convert_element_type3A_631, %get3A_634, %dot_general3A_635 {dimension_numbers = #tpu.dot_dimension_numbers<[1], [0], [0], [1], [0, 0, 1, 1], [], []>, transpose_lhs_hint = false} : vector<2000x32xf32>, vector<32x128xf32>, vector<2000x128xf32> -> vector<2000x128xf32>
      %add3A_637 = arith.addf %while3A_611, %dot_general3A_636 : vector<2000x128xf32>
      scf.yield %add3A_637 : vector<2000x128xf32>
    }
    %while3A_208 = arith.constant 1 : i32
    %while3A_209 = scf.for %while3A_610 = %while3A_205 to %while3A_201 step %while3A_208 iter_args(%while3A_611 = %while3A_207) -> (vector<2000x128xf32>)  : i32 {
      %mul3A_612 = arith.constant 32 : i32
      %mul3A_613 = arith.muli %while3A_610, %mul3A_612 : i32
      %add3A_614 = arith.addi %get3A_163, %mul3A_613 : i32
      %get3A_615 = arith.index_cast %add3A_614 : i32 to index
      %get3A_616 = arith.constant 0 : index
      %get3A_617 = vector.load %arg4[%get3A_615, %get3A_616] : memref<384x1xi32, #tpu.memory_space<vmem>>, vector<32x1xi32>
      %transpose3A_618 = tpu.transpose %get3A_617, [1, 0] : vector<32x1xi32> -> vector<1x32xi32>
      %add3A_619 = arith.constant 1 : i32
      %add3A_620 = arith.addi %add3A_614, %add3A_619 : i32
      %get3A_621 = arith.index_cast %add3A_620 : i32 to index
      %get3A_622 = arith.constant 0 : index
      %get3A_623 = vector.load %arg4[%get3A_621, %get3A_622] : memref<384x1xi32, #tpu.memory_space<vmem>>, vector<32x1xi32>
      %transpose3A_624 = tpu.transpose %get3A_623, [1, 0] : vector<32x1xi32> -> vector<1x32xi32>
      %ge3A = vector.broadcast %add3A_195 : vector<2000x1xi32> to vector<2000x32xi32>
      %ge3A_625 = vector.broadcast %transpose3A_618 : vector<1x32xi32> to vector<2000x32xi32>
      %ge3A_626 = arith.cmpi sge, %ge3A, %ge3A_625 : vector<2000x32xi32>
      %lt3A = vector.broadcast %add3A_195 : vector<2000x1xi32> to vector<2000x32xi32>
      %lt3A_627 = vector.broadcast %transpose3A_624 : vector<1x32xi32> to vector<2000x32xi32>
      %lt3A_628 = arith.cmpi slt, %lt3A, %lt3A_627 : vector<2000x32xi32>
      %and3A_629 = arith.andi %ge3A_626, %lt3A_628 : vector<2000x32xi1>
      %convert_element_type3A_630 = arith.extui %and3A_629 : vector<2000x32xi1> to vector<2000x32xi32>
      %convert_element_type3A_631 = arith.sitofp %convert_element_type3A_630 : vector<2000x32xi32> to vector<2000x32xf32>
      %get3A_632 = arith.index_cast %add3A_614 : i32 to index
      %get3A_633 = arith.constant 0 : index
      %get3A_634 = vector.load %arg17[%get3A_632, %get3A_633] : memref<288x128xf32, #tpu.memory_space<vmem>>, vector<32x128xf32>
      %dot_general3A_635 = arith.constant dense<0.000000e+00> : vector<2000x128xf32>
      %dot_general3A_636 = tpu.matmul %convert_element_type3A_631, %get3A_634, %dot_general3A_635 {dimension_numbers = #tpu.dot_dimension_numbers<[1], [0], [0], [1], [0, 0, 1, 1], [], []>, transpose_lhs_hint = false} : vector<2000x32xf32>, vector<32x128xf32>, vector<2000x128xf32> -> vector<2000x128xf32>
      %add3A_637 = arith.addf %while3A_611, %dot_general3A_636 : vector<2000x128xf32>
      scf.yield %add3A_637 : vector<2000x128xf32>
    }
    %max3A_210 = arith.constant 0.000000e+00 : f32
    %max3A_211 = vector.broadcast %max3A_210 : f32 to vector<2000x128xf32>
    %max3A_212 = arith.maximumf %while3A_209, %max3A_211 : vector<2000x128xf32>
    %get3A_213 = arith.constant 0 : index
    %get3A_214 = arith.constant 0 : index
    %get3A_215 = vector.load %arg14[%get3A_213, %get3A_214] : memref<128x10xf32, #tpu.memory_space<vmem>>, vector<128x10xf32>
    %dot_general3A_216 = arith.constant dense<0.000000e+00> : vector<2000x10xf32>
    %dot_general3A_217 = tpu.matmul %max3A_212, %get3A_215, %dot_general3A_216 {dimension_numbers = #tpu.dot_dimension_numbers<[1], [0], [0], [1], [0, 0, 1, 1], [], []>, transpose_lhs_hint = false} : vector<2000x128xf32>, vector<128x10xf32>, vector<2000x10xf32> -> vector<2000x10xf32>
    %get3A_218 = arith.constant 0 : index
    %get3A_219 = vector.load %arg15[%get3A_218] : memref<10xf32, #tpu.memory_space<vmem>>, vector<10xf32>
    %broadcast_in_dim3A_220 = vector.shape_cast %get3A_219 : vector<10xf32> to vector<1x10xf32>
    %add3A_221 = vector.broadcast %broadcast_in_dim3A_220 : vector<1x10xf32> to vector<2000x10xf32>
    %add3A_222 = arith.addf %dot_general3A_217, %add3A_221 : vector<2000x10xf32>
    %while3A_223 = arith.constant 0 : i32
    %while3A_224 = arith.constant 0 : i32
    %while3A_225 = arith.subi %add3A_192, %while3A_224 : i32
    %while3A_226 = arith.addi %while3A_224, %while3A_225 : i32
    %while3A_227 = arith.constant 1 : i32
    %while3A_228 = arith.divsi %while3A_225, %while3A_227 : i32
    %while3A_229 = arith.muli %while3A_228, %while3A_227 : i32
    %while3A_230 = arith.addi %while3A_224, %while3A_229 : i32
    %while3A_231 = arith.constant 1 : i32
    scf.for %while3A_610 = %while3A_224 to %while3A_230 step %while3A_231  : i32 {
      %mul3A_611 = arith.constant 32 : i32
      %mul3A_612 = arith.muli %while3A_610, %mul3A_611 : i32
      %add3A_613 = arith.addi %get3A_163, %mul3A_612 : i32
      %get3A_614 = arith.index_cast %add3A_613 : i32 to index
      %get3A_615 = arith.constant 0 : index
      %get3A_616 = vector.load %arg4[%get3A_614, %get3A_615] : memref<384x1xi32, #tpu.memory_space<vmem>>, vector<32x1xi32>
      %add3A_617 = arith.constant 1 : i32
      %add3A_618 = arith.addi %add3A_613, %add3A_617 : i32
      %get3A_619 = arith.index_cast %add3A_618 : i32 to index
      %get3A_620 = arith.constant 0 : index
      %get3A_621 = vector.load %arg4[%get3A_619, %get3A_620] : memref<384x1xi32, #tpu.memory_space<vmem>>, vector<32x1xi32>
      %ge3A = vector.broadcast %add3A_198 : vector<1x2000xi32> to vector<32x2000xi32>
      %ge3A_622 = vector.broadcast %get3A_616 : vector<32x1xi32> to vector<32x2000xi32>
      %ge3A_623 = arith.cmpi sge, %ge3A, %ge3A_622 : vector<32x2000xi32>
      %lt3A = vector.broadcast %add3A_198 : vector<1x2000xi32> to vector<32x2000xi32>
      %lt3A_624 = vector.broadcast %get3A_621 : vector<32x1xi32> to vector<32x2000xi32>
      %lt3A_625 = arith.cmpi slt, %lt3A, %lt3A_624 : vector<32x2000xi32>
      %and3A_626 = arith.andi %ge3A_623, %lt3A_625 : vector<32x2000xi1>
      %jit3A_627 = arith.constant 0.000000e+00 : f32
      %broadcast_in_dim3A_628 = vector.shape_cast %transpose3A_156 : vector<1x2000xf32> to vector<1x2000xf32>
      %broadcast_in_dim3A_629 = vector.broadcast %broadcast_in_dim3A_628 : vector<1x2000xf32> to vector<32x2000xf32>
      %broadcast_in_dim3A_630 = vector.broadcast %jit3A_627 : f32 to vector<32x2000xf32>
      %select_n3A_631 = arith.select %and3A_626, %broadcast_in_dim3A_629, %broadcast_in_dim3A_630 : vector<32x2000xi1>, vector<32x2000xf32>
      %get3A_632 = arith.index_cast %add3A_613 : i32 to index
      %get3A_633 = arith.constant 0 : index
      %get3A_634 = vector.load %arg18[%get3A_632, %get3A_633] : memref<288x10xf32, #tpu.memory_space<vmem>>, vector<32x10xf32>
      %dot_general3A_635 = arith.constant dense<0.000000e+00> : vector<32x10xf32>
      %dot_general3A_636 = tpu.matmul %select_n3A_631, %add3A_222, %dot_general3A_635 {dimension_numbers = #tpu.dot_dimension_numbers<[1], [0], [0], [1], [0, 0, 1, 1], [], []>, transpose_lhs_hint = false} : vector<32x2000xf32>, vector<2000x10xf32>, vector<32x10xf32> -> vector<32x10xf32>
      %add3A_637 = arith.addf %get3A_634, %dot_general3A_636 : vector<32x10xf32>
      %swap3A = arith.index_cast %add3A_613 : i32 to index
      %swap3A_638 = arith.constant 0 : index
      %swap3A_639 = vector.load %arg18[%swap3A, %swap3A_638] : memref<288x10xf32, #tpu.memory_space<vmem>>, vector<32x10xf32>
      tpu.vector_store %arg18[%swap3A, %swap3A_638], %add3A_637 {strides = array<i32>} : memref<288x10xf32, #tpu.memory_space<vmem>>, vector<32x10xf32>,
    }
    %while3A_232 = arith.constant 1 : i32
    scf.for %while3A_610 = %while3A_230 to %while3A_226 step %while3A_232  : i32 {
      %mul3A_611 = arith.constant 32 : i32
      %mul3A_612 = arith.muli %while3A_610, %mul3A_611 : i32
      %add3A_613 = arith.addi %get3A_163, %mul3A_612 : i32
      %get3A_614 = arith.index_cast %add3A_613 : i32 to index
      %get3A_615 = arith.constant 0 : index
      %get3A_616 = vector.load %arg4[%get3A_614, %get3A_615] : memref<384x1xi32, #tpu.memory_space<vmem>>, vector<32x1xi32>
      %add3A_617 = arith.constant 1 : i32
      %add3A_618 = arith.addi %add3A_613, %add3A_617 : i32
      %get3A_619 = arith.index_cast %add3A_618 : i32 to index
      %get3A_620 = arith.constant 0 : index
      %get3A_621 = vector.load %arg4[%get3A_619, %get3A_620] : memref<384x1xi32, #tpu.memory_space<vmem>>, vector<32x1xi32>
      %ge3A = vector.broadcast %add3A_198 : vector<1x2000xi32> to vector<32x2000xi32>
      %ge3A_622 = vector.broadcast %get3A_616 : vector<32x1xi32> to vector<32x2000xi32>
      %ge3A_623 = arith.cmpi sge, %ge3A, %ge3A_622 : vector<32x2000xi32>
      %lt3A = vector.broadcast %add3A_198 : vector<1x2000xi32> to vector<32x2000xi32>
      %lt3A_624 = vector.broadcast %get3A_621 : vector<32x1xi32> to vector<32x2000xi32>
      %lt3A_625 = arith.cmpi slt, %lt3A, %lt3A_624 : vector<32x2000xi32>
      %and3A_626 = arith.andi %ge3A_623, %lt3A_625 : vector<32x2000xi1>
      %jit3A_627 = arith.constant 0.000000e+00 : f32
      %broadcast_in_dim3A_628 = vector.shape_cast %transpose3A_156 : vector<1x2000xf32> to vector<1x2000xf32>
      %broadcast_in_dim3A_629 = vector.broadcast %broadcast_in_dim3A_628 : vector<1x2000xf32> to vector<32x2000xf32>
      %broadcast_in_dim3A_630 = vector.broadcast %jit3A_627 : f32 to vector<32x2000xf32>
      %select_n3A_631 = arith.select %and3A_626, %broadcast_in_dim3A_629, %broadcast_in_dim3A_630 : vector<32x2000xi1>, vector<32x2000xf32>
      %get3A_632 = arith.index_cast %add3A_613 : i32 to index
      %get3A_633 = arith.constant 0 : index
      %get3A_634 = vector.load %arg18[%get3A_632, %get3A_633] : memref<288x10xf32, #tpu.memory_space<vmem>>, vector<32x10xf32>
      %dot_general3A_635 = arith.constant dense<0.000000e+00> : vector<32x10xf32>
      %dot_general3A_636 = tpu.matmul %select_n3A_631, %add3A_222, %dot_general3A_635 {dimension_numbers = #tpu.dot_dimension_numbers<[1], [0], [0], [1], [0, 0, 1, 1], [], []>, transpose_lhs_hint = false} : vector<32x2000xf32>, vector<2000x10xf32>, vector<32x10xf32> -> vector<32x10xf32>
      %add3A_637 = arith.addf %get3A_634, %dot_general3A_636 : vector<32x10xf32>
      %swap3A = arith.index_cast %add3A_613 : i32 to index
      %swap3A_638 = arith.constant 0 : index
      %swap3A_639 = vector.load %arg18[%swap3A, %swap3A_638] : memref<288x10xf32, #tpu.memory_space<vmem>>, vector<32x10xf32>
      tpu.vector_store %arg18[%swap3A, %swap3A_638], %add3A_637 {strides = array<i32>} : memref<288x10xf32, #tpu.memory_space<vmem>>, vector<32x10xf32>,
    }
    %mul3A_233 = arith.constant 5 : i32
    %mul3A_234 = arith.muli %arg0, %mul3A_233 : i32
    %add3A_235 = arith.constant 2 : i32
    %add3A_236 = arith.addi %mul3A_234, %add3A_235 : i32
    %mul3A_237 = arith.constant 10000 : i32
    %mul3A_238 = arith.muli %arg0, %mul3A_237 : i32
    %add3A_239 = arith.constant 4000 : i32
    %add3A_240 = arith.addi %mul3A_238, %add3A_239 : i32
    %get3A_241 = arith.constant 4000 : index
    %get3A_242 = arith.constant 0 : index
    %get3A_243 = vector.load %arg3[%get3A_241, %get3A_242] : memref<10000x128xf32, #tpu.memory_space<vmem>>, vector<2000x128xf32>
    %get3A_244 = arith.constant 0 : index
    %get3A_245 = arith.constant 0 : index
    %get3A_246 = vector.load %arg6[%get3A_244, %get3A_245] : memref<128x128xf32, #tpu.memory_space<vmem>>, vector<128x128xf32>
    %dot_general3A_247 = arith.constant dense<0.000000e+00> : vector<2000x128xf32>
    %dot_general3A_248 = tpu.matmul %get3A_243, %get3A_246, %dot_general3A_247 {dimension_numbers = #tpu.dot_dimension_numbers<[1], [0], [0], [1], [0, 0, 1, 1], [], []>, transpose_lhs_hint = false} : vector<2000x128xf32>, vector<128x128xf32>, vector<2000x128xf32> -> vector<2000x128xf32>
    %get3A_249 = arith.constant 0 : index
    %get3A_250 = vector.load %arg7[%get3A_249] : memref<128xf32, #tpu.memory_space<vmem>>, vector<128xf32>
    %broadcast_in_dim3A_251 = vector.shape_cast %get3A_250 : vector<128xf32> to vector<1x128xf32>
    %add3A_252 = vector.broadcast %broadcast_in_dim3A_251 : vector<1x128xf32> to vector<2000x128xf32>
    %add3A_253 = arith.addf %dot_general3A_248, %add3A_252 : vector<2000x128xf32>
    %max3A_254 = arith.constant 0.000000e+00 : f32
    %max3A_255 = vector.broadcast %max3A_254 : f32 to vector<2000x128xf32>
    %max3A_256 = arith.maximumf %add3A_253, %max3A_255 : vector<2000x128xf32>
    %get3A_257 = arith.constant 0 : index
    %get3A_258 = arith.constant 0 : index
    %get3A_259 = vector.load %arg8[%get3A_257, %get3A_258] : memref<128x64xf32, #tpu.memory_space<vmem>>, vector<128x64xf32>
    %dot_general3A_260 = arith.constant dense<0.000000e+00> : vector<2000x64xf32>
    %dot_general3A_261 = tpu.matmul %max3A_256, %get3A_259, %dot_general3A_260 {dimension_numbers = #tpu.dot_dimension_numbers<[1], [0], [0], [1], [0, 0, 1, 1], [], []>, transpose_lhs_hint = false} : vector<2000x128xf32>, vector<128x64xf32>, vector<2000x64xf32> -> vector<2000x64xf32>
    %get3A_262 = arith.constant 0 : index
    %get3A_263 = vector.load %arg9[%get3A_262] : memref<64xf32, #tpu.memory_space<vmem>>, vector<64xf32>
    %broadcast_in_dim3A_264 = vector.shape_cast %get3A_263 : vector<64xf32> to vector<1x64xf32>
    %add3A_265 = vector.broadcast %broadcast_in_dim3A_264 : vector<1x64xf32> to vector<2000x64xf32>
    %add3A_266 = arith.addf %dot_general3A_261, %add3A_265 : vector<2000x64xf32>
    %max3A_267 = arith.constant 0.000000e+00 : f32
    %max3A_268 = vector.broadcast %max3A_267 : f32 to vector<2000x64xf32>
    %max3A_269 = arith.maximumf %add3A_266, %max3A_268 : vector<2000x64xf32>
    %get3A_270 = arith.constant 0 : index
    %get3A_271 = arith.constant 0 : index
    %get3A_272 = vector.load %arg10[%get3A_270, %get3A_271] : memref<64x1xf32, #tpu.memory_space<vmem>>, vector<64x1xf32>
    %dot_general3A_273 = arith.constant dense<0.000000e+00> : vector<2000x1xf32>
    %dot_general3A_274 = tpu.matmul %max3A_269, %get3A_272, %dot_general3A_273 {dimension_numbers = #tpu.dot_dimension_numbers<[1], [0], [0], [1], [0, 0, 1, 1], [], []>, transpose_lhs_hint = false} : vector<2000x64xf32>, vector<64x1xf32>, vector<2000x1xf32> -> vector<2000x1xf32>
    %get3A_275 = arith.constant 0 : index
    %get3A_276 = vector.load %arg11[%get3A_275] : memref<1xf32, #tpu.memory_space<vmem>>, vector<1xf32>
    %broadcast_in_dim3A_277 = vector.shape_cast %get3A_276 : vector<1xf32> to vector<1x1xf32>
    %add3A_278 = vector.broadcast %broadcast_in_dim3A_277 : vector<1x1xf32> to vector<2000x1xf32>
    %add3A_279 = arith.addf %dot_general3A_274, %add3A_278 : vector<2000x1xf32>
    %transpose3A_280 = tpu.transpose %add3A_279, [1, 0] : vector<2000x1xf32> -> vector<1x2000xf32>
    %get3A_281 = arith.constant 0 : index
    %get3A_282 = arith.constant 0 : index
    %get3A_283 = vector.load %arg12[%get3A_281, %get3A_282] : memref<256x128xf32, #tpu.memory_space<vmem>>, vector<128x128xf32>
    %dot_general3A_284 = arith.constant dense<0.000000e+00> : vector<2000x128xf32>
    %dot_general3A_285 = tpu.matmul %get3A_243, %get3A_283, %dot_general3A_284 {dimension_numbers = #tpu.dot_dimension_numbers<[1], [0], [0], [1], [0, 0, 1, 1], [], []>, transpose_lhs_hint = false} : vector<2000x128xf32>, vector<128x128xf32>, vector<2000x128xf32> -> vector<2000x128xf32>
    %get3A_286 = arith.index_cast %add3A_236 : i32 to index
    %get3A_287 = memref.load %arg1[%get3A_286] : memref<50xi32, #tpu.memory_space<smem>>
    %get3A_288 = arith.index_cast %add3A_236 : i32 to index
    %get3A_289 = memref.load %arg2[%get3A_288] : memref<50xi32, #tpu.memory_space<smem>>
    %sub3A_290 = arith.subi %get3A_289, %get3A_287 : i32
    %jit3A_291 = arith.constant 32 : i32
    %div3A_292 = arith.divsi %sub3A_290, %jit3A_291 : i32
    %sign3A_293 = arith.constant 0 : i32
    %sign3A_294 = arith.cmpi sgt, %sub3A_290, %sign3A_293 : i32
    %sign3A_295 = arith.extui %sign3A_294 : i1 to i32
    %sign3A_296 = arith.constant 0 : i32
    %sign3A_297 = arith.cmpi slt, %sub3A_290, %sign3A_296 : i32
    %sign3A_298 = arith.extui %sign3A_297 : i1 to i32
    %sign3A_299 = arith.subi %sign3A_295, %sign3A_298 : i32
    %sign3A_300 = arith.constant 0 : i32
    %sign3A_301 = arith.cmpi sgt, %jit3A_291, %sign3A_300 : i32
    %sign3A_302 = arith.extui %sign3A_301 : i1 to i32
    %sign3A_303 = arith.constant 0 : i32
    %sign3A_304 = arith.cmpi slt, %jit3A_291, %sign3A_303 : i32
    %sign3A_305 = arith.extui %sign3A_304 : i1 to i32
    %sign3A_306 = arith.subi %sign3A_302, %sign3A_305 : i32
    %ne3A_307 = arith.cmpi ne, %sign3A_299, %sign3A_306 : i32
    %rem3A_308 = arith.remsi %sub3A_290, %jit3A_291 : i32
    %ne3A_309 = arith.constant 0 : i32
    %ne3A_310 = arith.cmpi ne, %rem3A_308, %ne3A_309 : i32
    %and3A_311 = arith.andi %ne3A_307, %ne3A_310 : i1
    %sub3A_312 = arith.constant 1 : i32
    %sub3A_313 = arith.subi %div3A_292, %sub3A_312 : i32
    %select_n3A_314 = arith.select %and3A_311, %sub3A_313, %div3A_292 : i32
    %add3A_315 = arith.constant 1 : i32
    %add3A_316 = arith.addi %select_n3A_314, %add3A_315 : i32
    %iota3A_317 = tpu.iota {dimensions = array<i32: 0>} : vector<2000x1xi32>
    %add3A_318 = vector.broadcast %add3A_240 : i32 to vector<2000x1xi32>
    %add3A_319 = arith.addi %add3A_318, %iota3A_317 : vector<2000x1xi32>
    %iota3A_320 = tpu.iota {dimensions = array<i32: 1>} : vector<1x2000xi32>
    %add3A_321 = vector.broadcast %add3A_240 : i32 to vector<1x2000xi32>
    %add3A_322 = arith.addi %add3A_321, %iota3A_320 : vector<1x2000xi32>
    %while3A_323 = arith.constant 0 : i32
    %while3A_324 = arith.subi %add3A_316, %while3A_323 : i32
    %while3A_325 = arith.addi %while3A_323, %while3A_324 : i32
    %while3A_326 = arith.constant 1 : i32
    %while3A_327 = arith.divsi %while3A_324, %while3A_326 : i32
    %while3A_328 = arith.muli %while3A_327, %while3A_326 : i32
    %while3A_329 = arith.addi %while3A_323, %while3A_328 : i32
    %while3A_330 = arith.constant 1 : i32
    %while3A_331 = scf.for %while3A_610 = %while3A_323 to %while3A_329 step %while3A_330 iter_args(%while3A_611 = %dot_general3A_285) -> (vector<2000x128xf32>)  : i32 {
      %mul3A_612 = arith.constant 32 : i32
      %mul3A_613 = arith.muli %while3A_610, %mul3A_612 : i32
      %add3A_614 = arith.addi %get3A_287, %mul3A_613 : i32
      %get3A_615 = arith.index_cast %add3A_614 : i32 to index
      %get3A_616 = arith.constant 0 : index
      %get3A_617 = vector.load %arg4[%get3A_615, %get3A_616] : memref<384x1xi32, #tpu.memory_space<vmem>>, vector<32x1xi32>
      %transpose3A_618 = tpu.transpose %get3A_617, [1, 0] : vector<32x1xi32> -> vector<1x32xi32>
      %add3A_619 = arith.constant 1 : i32
      %add3A_620 = arith.addi %add3A_614, %add3A_619 : i32
      %get3A_621 = arith.index_cast %add3A_620 : i32 to index
      %get3A_622 = arith.constant 0 : index
      %get3A_623 = vector.load %arg4[%get3A_621, %get3A_622] : memref<384x1xi32, #tpu.memory_space<vmem>>, vector<32x1xi32>
      %transpose3A_624 = tpu.transpose %get3A_623, [1, 0] : vector<32x1xi32> -> vector<1x32xi32>
      %ge3A = vector.broadcast %add3A_319 : vector<2000x1xi32> to vector<2000x32xi32>
      %ge3A_625 = vector.broadcast %transpose3A_618 : vector<1x32xi32> to vector<2000x32xi32>
      %ge3A_626 = arith.cmpi sge, %ge3A, %ge3A_625 : vector<2000x32xi32>
      %lt3A = vector.broadcast %add3A_319 : vector<2000x1xi32> to vector<2000x32xi32>
      %lt3A_627 = vector.broadcast %transpose3A_624 : vector<1x32xi32> to vector<2000x32xi32>
      %lt3A_628 = arith.cmpi slt, %lt3A, %lt3A_627 : vector<2000x32xi32>
      %and3A_629 = arith.andi %ge3A_626, %lt3A_628 : vector<2000x32xi1>
      %convert_element_type3A_630 = arith.extui %and3A_629 : vector<2000x32xi1> to vector<2000x32xi32>
      %convert_element_type3A_631 = arith.sitofp %convert_element_type3A_630 : vector<2000x32xi32> to vector<2000x32xf32>
      %get3A_632 = arith.index_cast %add3A_614 : i32 to index
      %get3A_633 = arith.constant 0 : index
      %get3A_634 = vector.load %arg17[%get3A_632, %get3A_633] : memref<288x128xf32, #tpu.memory_space<vmem>>, vector<32x128xf32>
      %dot_general3A_635 = arith.constant dense<0.000000e+00> : vector<2000x128xf32>
      %dot_general3A_636 = tpu.matmul %convert_element_type3A_631, %get3A_634, %dot_general3A_635 {dimension_numbers = #tpu.dot_dimension_numbers<[1], [0], [0], [1], [0, 0, 1, 1], [], []>, transpose_lhs_hint = false} : vector<2000x32xf32>, vector<32x128xf32>, vector<2000x128xf32> -> vector<2000x128xf32>
      %add3A_637 = arith.addf %while3A_611, %dot_general3A_636 : vector<2000x128xf32>
      scf.yield %add3A_637 : vector<2000x128xf32>
    }
    %while3A_332 = arith.constant 1 : i32
    %while3A_333 = scf.for %while3A_610 = %while3A_329 to %while3A_325 step %while3A_332 iter_args(%while3A_611 = %while3A_331) -> (vector<2000x128xf32>)  : i32 {
      %mul3A_612 = arith.constant 32 : i32
      %mul3A_613 = arith.muli %while3A_610, %mul3A_612 : i32
      %add3A_614 = arith.addi %get3A_287, %mul3A_613 : i32
      %get3A_615 = arith.index_cast %add3A_614 : i32 to index
      %get3A_616 = arith.constant 0 : index
      %get3A_617 = vector.load %arg4[%get3A_615, %get3A_616] : memref<384x1xi32, #tpu.memory_space<vmem>>, vector<32x1xi32>
      %transpose3A_618 = tpu.transpose %get3A_617, [1, 0] : vector<32x1xi32> -> vector<1x32xi32>
      %add3A_619 = arith.constant 1 : i32
      %add3A_620 = arith.addi %add3A_614, %add3A_619 : i32
      %get3A_621 = arith.index_cast %add3A_620 : i32 to index
      %get3A_622 = arith.constant 0 : index
      %get3A_623 = vector.load %arg4[%get3A_621, %get3A_622] : memref<384x1xi32, #tpu.memory_space<vmem>>, vector<32x1xi32>
      %transpose3A_624 = tpu.transpose %get3A_623, [1, 0] : vector<32x1xi32> -> vector<1x32xi32>
      %ge3A = vector.broadcast %add3A_319 : vector<2000x1xi32> to vector<2000x32xi32>
      %ge3A_625 = vector.broadcast %transpose3A_618 : vector<1x32xi32> to vector<2000x32xi32>
      %ge3A_626 = arith.cmpi sge, %ge3A, %ge3A_625 : vector<2000x32xi32>
      %lt3A = vector.broadcast %add3A_319 : vector<2000x1xi32> to vector<2000x32xi32>
      %lt3A_627 = vector.broadcast %transpose3A_624 : vector<1x32xi32> to vector<2000x32xi32>
      %lt3A_628 = arith.cmpi slt, %lt3A, %lt3A_627 : vector<2000x32xi32>
      %and3A_629 = arith.andi %ge3A_626, %lt3A_628 : vector<2000x32xi1>
      %convert_element_type3A_630 = arith.extui %and3A_629 : vector<2000x32xi1> to vector<2000x32xi32>
      %convert_element_type3A_631 = arith.sitofp %convert_element_type3A_630 : vector<2000x32xi32> to vector<2000x32xf32>
      %get3A_632 = arith.index_cast %add3A_614 : i32 to index
      %get3A_633 = arith.constant 0 : index
      %get3A_634 = vector.load %arg17[%get3A_632, %get3A_633] : memref<288x128xf32, #tpu.memory_space<vmem>>, vector<32x128xf32>
      %dot_general3A_635 = arith.constant dense<0.000000e+00> : vector<2000x128xf32>
      %dot_general3A_636 = tpu.matmul %convert_element_type3A_631, %get3A_634, %dot_general3A_635 {dimension_numbers = #tpu.dot_dimension_numbers<[1], [0], [0], [1], [0, 0, 1, 1], [], []>, transpose_lhs_hint = false} : vector<2000x32xf32>, vector<32x128xf32>, vector<2000x128xf32> -> vector<2000x128xf32>
      %add3A_637 = arith.addf %while3A_611, %dot_general3A_636 : vector<2000x128xf32>
      scf.yield %add3A_637 : vector<2000x128xf32>
    }
    %max3A_334 = arith.constant 0.000000e+00 : f32
    %max3A_335 = vector.broadcast %max3A_334 : f32 to vector<2000x128xf32>
    %max3A_336 = arith.maximumf %while3A_333, %max3A_335 : vector<2000x128xf32>
    %get3A_337 = arith.constant 0 : index
    %get3A_338 = arith.constant 0 : index
    %get3A_339 = vector.load %arg14[%get3A_337, %get3A_338] : memref<128x10xf32, #tpu.memory_space<vmem>>, vector<128x10xf32>
    %dot_general3A_340 = arith.constant dense<0.000000e+00> : vector<2000x10xf32>
    %dot_general3A_341 = tpu.matmul %max3A_336, %get3A_339, %dot_general3A_340 {dimension_numbers = #tpu.dot_dimension_numbers<[1], [0], [0], [1], [0, 0, 1, 1], [], []>, transpose_lhs_hint = false} : vector<2000x128xf32>, vector<128x10xf32>, vector<2000x10xf32> -> vector<2000x10xf32>
    %get3A_342 = arith.constant 0 : index
    %get3A_343 = vector.load %arg15[%get3A_342] : memref<10xf32, #tpu.memory_space<vmem>>, vector<10xf32>
    %broadcast_in_dim3A_344 = vector.shape_cast %get3A_343 : vector<10xf32> to vector<1x10xf32>
    %add3A_345 = vector.broadcast %broadcast_in_dim3A_344 : vector<1x10xf32> to vector<2000x10xf32>
    %add3A_346 = arith.addf %dot_general3A_341, %add3A_345 : vector<2000x10xf32>
    %while3A_347 = arith.constant 0 : i32
    %while3A_348 = arith.constant 0 : i32
    %while3A_349 = arith.subi %add3A_316, %while3A_348 : i32
    %while3A_350 = arith.addi %while3A_348, %while3A_349 : i32
    %while3A_351 = arith.constant 1 : i32
    %while3A_352 = arith.divsi %while3A_349, %while3A_351 : i32
    %while3A_353 = arith.muli %while3A_352, %while3A_351 : i32
    %while3A_354 = arith.addi %while3A_348, %while3A_353 : i32
    %while3A_355 = arith.constant 1 : i32
    scf.for %while3A_610 = %while3A_348 to %while3A_354 step %while3A_355  : i32 {
      %mul3A_611 = arith.constant 32 : i32
      %mul3A_612 = arith.muli %while3A_610, %mul3A_611 : i32
      %add3A_613 = arith.addi %get3A_287, %mul3A_612 : i32
      %get3A_614 = arith.index_cast %add3A_613 : i32 to index
      %get3A_615 = arith.constant 0 : index
      %get3A_616 = vector.load %arg4[%get3A_614, %get3A_615] : memref<384x1xi32, #tpu.memory_space<vmem>>, vector<32x1xi32>
      %add3A_617 = arith.constant 1 : i32
      %add3A_618 = arith.addi %add3A_613, %add3A_617 : i32
      %get3A_619 = arith.index_cast %add3A_618 : i32 to index
      %get3A_620 = arith.constant 0 : index
      %get3A_621 = vector.load %arg4[%get3A_619, %get3A_620] : memref<384x1xi32, #tpu.memory_space<vmem>>, vector<32x1xi32>
      %ge3A = vector.broadcast %add3A_322 : vector<1x2000xi32> to vector<32x2000xi32>
      %ge3A_622 = vector.broadcast %get3A_616 : vector<32x1xi32> to vector<32x2000xi32>
      %ge3A_623 = arith.cmpi sge, %ge3A, %ge3A_622 : vector<32x2000xi32>
      %lt3A = vector.broadcast %add3A_322 : vector<1x2000xi32> to vector<32x2000xi32>
      %lt3A_624 = vector.broadcast %get3A_621 : vector<32x1xi32> to vector<32x2000xi32>
      %lt3A_625 = arith.cmpi slt, %lt3A, %lt3A_624 : vector<32x2000xi32>
      %and3A_626 = arith.andi %ge3A_623, %lt3A_625 : vector<32x2000xi1>
      %jit3A_627 = arith.constant 0.000000e+00 : f32
      %broadcast_in_dim3A_628 = vector.shape_cast %transpose3A_280 : vector<1x2000xf32> to vector<1x2000xf32>
      %broadcast_in_dim3A_629 = vector.broadcast %broadcast_in_dim3A_628 : vector<1x2000xf32> to vector<32x2000xf32>
      %broadcast_in_dim3A_630 = vector.broadcast %jit3A_627 : f32 to vector<32x2000xf32>
      %select_n3A_631 = arith.select %and3A_626, %broadcast_in_dim3A_629, %broadcast_in_dim3A_630 : vector<32x2000xi1>, vector<32x2000xf32>
      %get3A_632 = arith.index_cast %add3A_613 : i32 to index
      %get3A_633 = arith.constant 0 : index
      %get3A_634 = vector.load %arg18[%get3A_632, %get3A_633] : memref<288x10xf32, #tpu.memory_space<vmem>>, vector<32x10xf32>
      %dot_general3A_635 = arith.constant dense<0.000000e+00> : vector<32x10xf32>
      %dot_general3A_636 = tpu.matmul %select_n3A_631, %add3A_346, %dot_general3A_635 {dimension_numbers = #tpu.dot_dimension_numbers<[1], [0], [0], [1], [0, 0, 1, 1], [], []>, transpose_lhs_hint = false} : vector<32x2000xf32>, vector<2000x10xf32>, vector<32x10xf32> -> vector<32x10xf32>
      %add3A_637 = arith.addf %get3A_634, %dot_general3A_636 : vector<32x10xf32>
      %swap3A = arith.index_cast %add3A_613 : i32 to index
      %swap3A_638 = arith.constant 0 : index
      %swap3A_639 = vector.load %arg18[%swap3A, %swap3A_638] : memref<288x10xf32, #tpu.memory_space<vmem>>, vector<32x10xf32>
      tpu.vector_store %arg18[%swap3A, %swap3A_638], %add3A_637 {strides = array<i32>} : memref<288x10xf32, #tpu.memory_space<vmem>>, vector<32x10xf32>,
    }
    %while3A_356 = arith.constant 1 : i32
    scf.for %while3A_610 = %while3A_354 to %while3A_350 step %while3A_356  : i32 {
      %mul3A_611 = arith.constant 32 : i32
      %mul3A_612 = arith.muli %while3A_610, %mul3A_611 : i32
      %add3A_613 = arith.addi %get3A_287, %mul3A_612 : i32
      %get3A_614 = arith.index_cast %add3A_613 : i32 to index
      %get3A_615 = arith.constant 0 : index
      %get3A_616 = vector.load %arg4[%get3A_614, %get3A_615] : memref<384x1xi32, #tpu.memory_space<vmem>>, vector<32x1xi32>
      %add3A_617 = arith.constant 1 : i32
      %add3A_618 = arith.addi %add3A_613, %add3A_617 : i32
      %get3A_619 = arith.index_cast %add3A_618 : i32 to index
      %get3A_620 = arith.constant 0 : index
      %get3A_621 = vector.load %arg4[%get3A_619, %get3A_620] : memref<384x1xi32, #tpu.memory_space<vmem>>, vector<32x1xi32>
      %ge3A = vector.broadcast %add3A_322 : vector<1x2000xi32> to vector<32x2000xi32>
      %ge3A_622 = vector.broadcast %get3A_616 : vector<32x1xi32> to vector<32x2000xi32>
      %ge3A_623 = arith.cmpi sge, %ge3A, %ge3A_622 : vector<32x2000xi32>
      %lt3A = vector.broadcast %add3A_322 : vector<1x2000xi32> to vector<32x2000xi32>
      %lt3A_624 = vector.broadcast %get3A_621 : vector<32x1xi32> to vector<32x2000xi32>
      %lt3A_625 = arith.cmpi slt, %lt3A, %lt3A_624 : vector<32x2000xi32>
      %and3A_626 = arith.andi %ge3A_623, %lt3A_625 : vector<32x2000xi1>
      %jit3A_627 = arith.constant 0.000000e+00 : f32
      %broadcast_in_dim3A_628 = vector.shape_cast %transpose3A_280 : vector<1x2000xf32> to vector<1x2000xf32>
      %broadcast_in_dim3A_629 = vector.broadcast %broadcast_in_dim3A_628 : vector<1x2000xf32> to vector<32x2000xf32>
      %broadcast_in_dim3A_630 = vector.broadcast %jit3A_627 : f32 to vector<32x2000xf32>
      %select_n3A_631 = arith.select %and3A_626, %broadcast_in_dim3A_629, %broadcast_in_dim3A_630 : vector<32x2000xi1>, vector<32x2000xf32>
      %get3A_632 = arith.index_cast %add3A_613 : i32 to index
      %get3A_633 = arith.constant 0 : index
      %get3A_634 = vector.load %arg18[%get3A_632, %get3A_633] : memref<288x10xf32, #tpu.memory_space<vmem>>, vector<32x10xf32>
      %dot_general3A_635 = arith.constant dense<0.000000e+00> : vector<32x10xf32>
      %dot_general3A_636 = tpu.matmul %select_n3A_631, %add3A_346, %dot_general3A_635 {dimension_numbers = #tpu.dot_dimension_numbers<[1], [0], [0], [1], [0, 0, 1, 1], [], []>, transpose_lhs_hint = false} : vector<32x2000xf32>, vector<2000x10xf32>, vector<32x10xf32> -> vector<32x10xf32>
      %add3A_637 = arith.addf %get3A_634, %dot_general3A_636 : vector<32x10xf32>
      %swap3A = arith.index_cast %add3A_613 : i32 to index
      %swap3A_638 = arith.constant 0 : index
      %swap3A_639 = vector.load %arg18[%swap3A, %swap3A_638] : memref<288x10xf32, #tpu.memory_space<vmem>>, vector<32x10xf32>
      tpu.vector_store %arg18[%swap3A, %swap3A_638], %add3A_637 {strides = array<i32>} : memref<288x10xf32, #tpu.memory_space<vmem>>, vector<32x10xf32>,
    }
    %mul3A_357 = arith.constant 5 : i32
    %mul3A_358 = arith.muli %arg0, %mul3A_357 : i32
    %add3A_359 = arith.constant 3 : i32
    %add3A_360 = arith.addi %mul3A_358, %add3A_359 : i32
    %mul3A_361 = arith.constant 10000 : i32
    %mul3A_362 = arith.muli %arg0, %mul3A_361 : i32
    %add3A_363 = arith.constant 6000 : i32
    %add3A_364 = arith.addi %mul3A_362, %add3A_363 : i32
    %get3A_365 = arith.constant 6000 : index
    %get3A_366 = arith.constant 0 : index
    %get3A_367 = vector.load %arg3[%get3A_365, %get3A_366] : memref<10000x128xf32, #tpu.memory_space<vmem>>, vector<2000x128xf32>
    %get3A_368 = arith.constant 0 : index
    %get3A_369 = arith.constant 0 : index
    %get3A_370 = vector.load %arg6[%get3A_368, %get3A_369] : memref<128x128xf32, #tpu.memory_space<vmem>>, vector<128x128xf32>
    %dot_general3A_371 = arith.constant dense<0.000000e+00> : vector<2000x128xf32>
    %dot_general3A_372 = tpu.matmul %get3A_367, %get3A_370, %dot_general3A_371 {dimension_numbers = #tpu.dot_dimension_numbers<[1], [0], [0], [1], [0, 0, 1, 1], [], []>, transpose_lhs_hint = false} : vector<2000x128xf32>, vector<128x128xf32>, vector<2000x128xf32> -> vector<2000x128xf32>
    %get3A_373 = arith.constant 0 : index
    %get3A_374 = vector.load %arg7[%get3A_373] : memref<128xf32, #tpu.memory_space<vmem>>, vector<128xf32>
    %broadcast_in_dim3A_375 = vector.shape_cast %get3A_374 : vector<128xf32> to vector<1x128xf32>
    %add3A_376 = vector.broadcast %broadcast_in_dim3A_375 : vector<1x128xf32> to vector<2000x128xf32>
    %add3A_377 = arith.addf %dot_general3A_372, %add3A_376 : vector<2000x128xf32>
    %max3A_378 = arith.constant 0.000000e+00 : f32
    %max3A_379 = vector.broadcast %max3A_378 : f32 to vector<2000x128xf32>
    %max3A_380 = arith.maximumf %add3A_377, %max3A_379 : vector<2000x128xf32>
    %get3A_381 = arith.constant 0 : index
    %get3A_382 = arith.constant 0 : index
    %get3A_383 = vector.load %arg8[%get3A_381, %get3A_382] : memref<128x64xf32, #tpu.memory_space<vmem>>, vector<128x64xf32>
    %dot_general3A_384 = arith.constant dense<0.000000e+00> : vector<2000x64xf32>
    %dot_general3A_385 = tpu.matmul %max3A_380, %get3A_383, %dot_general3A_384 {dimension_numbers = #tpu.dot_dimension_numbers<[1], [0], [0], [1], [0, 0, 1, 1], [], []>, transpose_lhs_hint = false} : vector<2000x128xf32>, vector<128x64xf32>, vector<2000x64xf32> -> vector<2000x64xf32>
    %get3A_386 = arith.constant 0 : index
    %get3A_387 = vector.load %arg9[%get3A_386] : memref<64xf32, #tpu.memory_space<vmem>>, vector<64xf32>
    %broadcast_in_dim3A_388 = vector.shape_cast %get3A_387 : vector<64xf32> to vector<1x64xf32>
    %add3A_389 = vector.broadcast %broadcast_in_dim3A_388 : vector<1x64xf32> to vector<2000x64xf32>
    %add3A_390 = arith.addf %dot_general3A_385, %add3A_389 : vector<2000x64xf32>
    %max3A_391 = arith.constant 0.000000e+00 : f32
    %max3A_392 = vector.broadcast %max3A_391 : f32 to vector<2000x64xf32>
    %max3A_393 = arith.maximumf %add3A_390, %max3A_392 : vector<2000x64xf32>
    %get3A_394 = arith.constant 0 : index
    %get3A_395 = arith.constant 0 : index
    %get3A_396 = vector.load %arg10[%get3A_394, %get3A_395] : memref<64x1xf32, #tpu.memory_space<vmem>>, vector<64x1xf32>
    %dot_general3A_397 = arith.constant dense<0.000000e+00> : vector<2000x1xf32>
    %dot_general3A_398 = tpu.matmul %max3A_393, %get3A_396, %dot_general3A_397 {dimension_numbers = #tpu.dot_dimension_numbers<[1], [0], [0], [1], [0, 0, 1, 1], [], []>, transpose_lhs_hint = false} : vector<2000x64xf32>, vector<64x1xf32>, vector<2000x1xf32> -> vector<2000x1xf32>
    %get3A_399 = arith.constant 0 : index
    %get3A_400 = vector.load %arg11[%get3A_399] : memref<1xf32, #tpu.memory_space<vmem>>, vector<1xf32>
    %broadcast_in_dim3A_401 = vector.shape_cast %get3A_400 : vector<1xf32> to vector<1x1xf32>
    %add3A_402 = vector.broadcast %broadcast_in_dim3A_401 : vector<1x1xf32> to vector<2000x1xf32>
    %add3A_403 = arith.addf %dot_general3A_398, %add3A_402 : vector<2000x1xf32>
    %transpose3A_404 = tpu.transpose %add3A_403, [1, 0] : vector<2000x1xf32> -> vector<1x2000xf32>
    %get3A_405 = arith.constant 0 : index
    %get3A_406 = arith.constant 0 : index
    %get3A_407 = vector.load %arg12[%get3A_405, %get3A_406] : memref<256x128xf32, #tpu.memory_space<vmem>>, vector<128x128xf32>
    %dot_general3A_408 = arith.constant dense<0.000000e+00> : vector<2000x128xf32>
    %dot_general3A_409 = tpu.matmul %get3A_367, %get3A_407, %dot_general3A_408 {dimension_numbers = #tpu.dot_dimension_numbers<[1], [0], [0], [1], [0, 0, 1, 1], [], []>, transpose_lhs_hint = false} : vector<2000x128xf32>, vector<128x128xf32>, vector<2000x128xf32> -> vector<2000x128xf32>
    %get3A_410 = arith.index_cast %add3A_360 : i32 to index
    %get3A_411 = memref.load %arg1[%get3A_410] : memref<50xi32, #tpu.memory_space<smem>>
    %get3A_412 = arith.index_cast %add3A_360 : i32 to index
    %get3A_413 = memref.load %arg2[%get3A_412] : memref<50xi32, #tpu.memory_space<smem>>
    %sub3A_414 = arith.subi %get3A_413, %get3A_411 : i32
    %jit3A_415 = arith.constant 32 : i32
    %div3A_416 = arith.divsi %sub3A_414, %jit3A_415 : i32
    %sign3A_417 = arith.constant 0 : i32
    %sign3A_418 = arith.cmpi sgt, %sub3A_414, %sign3A_417 : i32
    %sign3A_419 = arith.extui %sign3A_418 : i1 to i32
    %sign3A_420 = arith.constant 0 : i32
    %sign3A_421 = arith.cmpi slt, %sub3A_414, %sign3A_420 : i32
    %sign3A_422 = arith.extui %sign3A_421 : i1 to i32
    %sign3A_423 = arith.subi %sign3A_419, %sign3A_422 : i32
    %sign3A_424 = arith.constant 0 : i32
    %sign3A_425 = arith.cmpi sgt, %jit3A_415, %sign3A_424 : i32
    %sign3A_426 = arith.extui %sign3A_425 : i1 to i32
    %sign3A_427 = arith.constant 0 : i32
    %sign3A_428 = arith.cmpi slt, %jit3A_415, %sign3A_427 : i32
    %sign3A_429 = arith.extui %sign3A_428 : i1 to i32
    %sign3A_430 = arith.subi %sign3A_426, %sign3A_429 : i32
    %ne3A_431 = arith.cmpi ne, %sign3A_423, %sign3A_430 : i32
    %rem3A_432 = arith.remsi %sub3A_414, %jit3A_415 : i32
    %ne3A_433 = arith.constant 0 : i32
    %ne3A_434 = arith.cmpi ne, %rem3A_432, %ne3A_433 : i32
    %and3A_435 = arith.andi %ne3A_431, %ne3A_434 : i1
    %sub3A_436 = arith.constant 1 : i32
    %sub3A_437 = arith.subi %div3A_416, %sub3A_436 : i32
    %select_n3A_438 = arith.select %and3A_435, %sub3A_437, %div3A_416 : i32
    %add3A_439 = arith.constant 1 : i32
    %add3A_440 = arith.addi %select_n3A_438, %add3A_439 : i32
    %iota3A_441 = tpu.iota {dimensions = array<i32: 0>} : vector<2000x1xi32>
    %add3A_442 = vector.broadcast %add3A_364 : i32 to vector<2000x1xi32>
    %add3A_443 = arith.addi %add3A_442, %iota3A_441 : vector<2000x1xi32>
    %iota3A_444 = tpu.iota {dimensions = array<i32: 1>} : vector<1x2000xi32>
    %add3A_445 = vector.broadcast %add3A_364 : i32 to vector<1x2000xi32>
    %add3A_446 = arith.addi %add3A_445, %iota3A_444 : vector<1x2000xi32>
    %while3A_447 = arith.constant 0 : i32
    %while3A_448 = arith.subi %add3A_440, %while3A_447 : i32
    %while3A_449 = arith.addi %while3A_447, %while3A_448 : i32
    %while3A_450 = arith.constant 1 : i32
    %while3A_451 = arith.divsi %while3A_448, %while3A_450 : i32
    %while3A_452 = arith.muli %while3A_451, %while3A_450 : i32
    %while3A_453 = arith.addi %while3A_447, %while3A_452 : i32
    %while3A_454 = arith.constant 1 : i32
    %while3A_455 = scf.for %while3A_610 = %while3A_447 to %while3A_453 step %while3A_454 iter_args(%while3A_611 = %dot_general3A_409) -> (vector<2000x128xf32>)  : i32 {
      %mul3A_612 = arith.constant 32 : i32
      %mul3A_613 = arith.muli %while3A_610, %mul3A_612 : i32
      %add3A_614 = arith.addi %get3A_411, %mul3A_613 : i32
      %get3A_615 = arith.index_cast %add3A_614 : i32 to index
      %get3A_616 = arith.constant 0 : index
      %get3A_617 = vector.load %arg4[%get3A_615, %get3A_616] : memref<384x1xi32, #tpu.memory_space<vmem>>, vector<32x1xi32>
      %transpose3A_618 = tpu.transpose %get3A_617, [1, 0] : vector<32x1xi32> -> vector<1x32xi32>
      %add3A_619 = arith.constant 1 : i32
      %add3A_620 = arith.addi %add3A_614, %add3A_619 : i32
      %get3A_621 = arith.index_cast %add3A_620 : i32 to index
      %get3A_622 = arith.constant 0 : index
      %get3A_623 = vector.load %arg4[%get3A_621, %get3A_622] : memref<384x1xi32, #tpu.memory_space<vmem>>, vector<32x1xi32>
      %transpose3A_624 = tpu.transpose %get3A_623, [1, 0] : vector<32x1xi32> -> vector<1x32xi32>
      %ge3A = vector.broadcast %add3A_443 : vector<2000x1xi32> to vector<2000x32xi32>
      %ge3A_625 = vector.broadcast %transpose3A_618 : vector<1x32xi32> to vector<2000x32xi32>
      %ge3A_626 = arith.cmpi sge, %ge3A, %ge3A_625 : vector<2000x32xi32>
      %lt3A = vector.broadcast %add3A_443 : vector<2000x1xi32> to vector<2000x32xi32>
      %lt3A_627 = vector.broadcast %transpose3A_624 : vector<1x32xi32> to vector<2000x32xi32>
      %lt3A_628 = arith.cmpi slt, %lt3A, %lt3A_627 : vector<2000x32xi32>
      %and3A_629 = arith.andi %ge3A_626, %lt3A_628 : vector<2000x32xi1>
      %convert_element_type3A_630 = arith.extui %and3A_629 : vector<2000x32xi1> to vector<2000x32xi32>
      %convert_element_type3A_631 = arith.sitofp %convert_element_type3A_630 : vector<2000x32xi32> to vector<2000x32xf32>
      %get3A_632 = arith.index_cast %add3A_614 : i32 to index
      %get3A_633 = arith.constant 0 : index
      %get3A_634 = vector.load %arg17[%get3A_632, %get3A_633] : memref<288x128xf32, #tpu.memory_space<vmem>>, vector<32x128xf32>
      %dot_general3A_635 = arith.constant dense<0.000000e+00> : vector<2000x128xf32>
      %dot_general3A_636 = tpu.matmul %convert_element_type3A_631, %get3A_634, %dot_general3A_635 {dimension_numbers = #tpu.dot_dimension_numbers<[1], [0], [0], [1], [0, 0, 1, 1], [], []>, transpose_lhs_hint = false} : vector<2000x32xf32>, vector<32x128xf32>, vector<2000x128xf32> -> vector<2000x128xf32>
      %add3A_637 = arith.addf %while3A_611, %dot_general3A_636 : vector<2000x128xf32>
      scf.yield %add3A_637 : vector<2000x128xf32>
    }
    %while3A_456 = arith.constant 1 : i32
    %while3A_457 = scf.for %while3A_610 = %while3A_453 to %while3A_449 step %while3A_456 iter_args(%while3A_611 = %while3A_455) -> (vector<2000x128xf32>)  : i32 {
      %mul3A_612 = arith.constant 32 : i32
      %mul3A_613 = arith.muli %while3A_610, %mul3A_612 : i32
      %add3A_614 = arith.addi %get3A_411, %mul3A_613 : i32
      %get3A_615 = arith.index_cast %add3A_614 : i32 to index
      %get3A_616 = arith.constant 0 : index
      %get3A_617 = vector.load %arg4[%get3A_615, %get3A_616] : memref<384x1xi32, #tpu.memory_space<vmem>>, vector<32x1xi32>
      %transpose3A_618 = tpu.transpose %get3A_617, [1, 0] : vector<32x1xi32> -> vector<1x32xi32>
      %add3A_619 = arith.constant 1 : i32
      %add3A_620 = arith.addi %add3A_614, %add3A_619 : i32
      %get3A_621 = arith.index_cast %add3A_620 : i32 to index
      %get3A_622 = arith.constant 0 : index
      %get3A_623 = vector.load %arg4[%get3A_621, %get3A_622] : memref<384x1xi32, #tpu.memory_space<vmem>>, vector<32x1xi32>
      %transpose3A_624 = tpu.transpose %get3A_623, [1, 0] : vector<32x1xi32> -> vector<1x32xi32>
      %ge3A = vector.broadcast %add3A_443 : vector<2000x1xi32> to vector<2000x32xi32>
      %ge3A_625 = vector.broadcast %transpose3A_618 : vector<1x32xi32> to vector<2000x32xi32>
      %ge3A_626 = arith.cmpi sge, %ge3A, %ge3A_625 : vector<2000x32xi32>
      %lt3A = vector.broadcast %add3A_443 : vector<2000x1xi32> to vector<2000x32xi32>
      %lt3A_627 = vector.broadcast %transpose3A_624 : vector<1x32xi32> to vector<2000x32xi32>
      %lt3A_628 = arith.cmpi slt, %lt3A, %lt3A_627 : vector<2000x32xi32>
      %and3A_629 = arith.andi %ge3A_626, %lt3A_628 : vector<2000x32xi1>
      %convert_element_type3A_630 = arith.extui %and3A_629 : vector<2000x32xi1> to vector<2000x32xi32>
      %convert_element_type3A_631 = arith.sitofp %convert_element_type3A_630 : vector<2000x32xi32> to vector<2000x32xf32>
      %get3A_632 = arith.index_cast %add3A_614 : i32 to index
      %get3A_633 = arith.constant 0 : index
      %get3A_634 = vector.load %arg17[%get3A_632, %get3A_633] : memref<288x128xf32, #tpu.memory_space<vmem>>, vector<32x128xf32>
      %dot_general3A_635 = arith.constant dense<0.000000e+00> : vector<2000x128xf32>
      %dot_general3A_636 = tpu.matmul %convert_element_type3A_631, %get3A_634, %dot_general3A_635 {dimension_numbers = #tpu.dot_dimension_numbers<[1], [0], [0], [1], [0, 0, 1, 1], [], []>, transpose_lhs_hint = false} : vector<2000x32xf32>, vector<32x128xf32>, vector<2000x128xf32> -> vector<2000x128xf32>
      %add3A_637 = arith.addf %while3A_611, %dot_general3A_636 : vector<2000x128xf32>
      scf.yield %add3A_637 : vector<2000x128xf32>
    }
    %max3A_458 = arith.constant 0.000000e+00 : f32
    %max3A_459 = vector.broadcast %max3A_458 : f32 to vector<2000x128xf32>
    %max3A_460 = arith.maximumf %while3A_457, %max3A_459 : vector<2000x128xf32>
    %get3A_461 = arith.constant 0 : index
    %get3A_462 = arith.constant 0 : index
    %get3A_463 = vector.load %arg14[%get3A_461, %get3A_462] : memref<128x10xf32, #tpu.memory_space<vmem>>, vector<128x10xf32>
    %dot_general3A_464 = arith.constant dense<0.000000e+00> : vector<2000x10xf32>
    %dot_general3A_465 = tpu.matmul %max3A_460, %get3A_463, %dot_general3A_464 {dimension_numbers = #tpu.dot_dimension_numbers<[1], [0], [0], [1], [0, 0, 1, 1], [], []>, transpose_lhs_hint = false} : vector<2000x128xf32>, vector<128x10xf32>, vector<2000x10xf32> -> vector<2000x10xf32>
    %get3A_466 = arith.constant 0 : index
    %get3A_467 = vector.load %arg15[%get3A_466] : memref<10xf32, #tpu.memory_space<vmem>>, vector<10xf32>
    %broadcast_in_dim3A_468 = vector.shape_cast %get3A_467 : vector<10xf32> to vector<1x10xf32>
    %add3A_469 = vector.broadcast %broadcast_in_dim3A_468 : vector<1x10xf32> to vector<2000x10xf32>
    %add3A_470 = arith.addf %dot_general3A_465, %add3A_469 : vector<2000x10xf32>
    %while3A_471 = arith.constant 0 : i32
    %while3A_472 = arith.constant 0 : i32
    %while3A_473 = arith.subi %add3A_440, %while3A_472 : i32
    %while3A_474 = arith.addi %while3A_472, %while3A_473 : i32
    %while3A_475 = arith.constant 1 : i32
    %while3A_476 = arith.divsi %while3A_473, %while3A_475 : i32
    %while3A_477 = arith.muli %while3A_476, %while3A_475 : i32
    %while3A_478 = arith.addi %while3A_472, %while3A_477 : i32
    %while3A_479 = arith.constant 1 : i32
    scf.for %while3A_610 = %while3A_472 to %while3A_478 step %while3A_479  : i32 {
      %mul3A_611 = arith.constant 32 : i32
      %mul3A_612 = arith.muli %while3A_610, %mul3A_611 : i32
      %add3A_613 = arith.addi %get3A_411, %mul3A_612 : i32
      %get3A_614 = arith.index_cast %add3A_613 : i32 to index
      %get3A_615 = arith.constant 0 : index
      %get3A_616 = vector.load %arg4[%get3A_614, %get3A_615] : memref<384x1xi32, #tpu.memory_space<vmem>>, vector<32x1xi32>
      %add3A_617 = arith.constant 1 : i32
      %add3A_618 = arith.addi %add3A_613, %add3A_617 : i32
      %get3A_619 = arith.index_cast %add3A_618 : i32 to index
      %get3A_620 = arith.constant 0 : index
      %get3A_621 = vector.load %arg4[%get3A_619, %get3A_620] : memref<384x1xi32, #tpu.memory_space<vmem>>, vector<32x1xi32>
      %ge3A = vector.broadcast %add3A_446 : vector<1x2000xi32> to vector<32x2000xi32>
      %ge3A_622 = vector.broadcast %get3A_616 : vector<32x1xi32> to vector<32x2000xi32>
      %ge3A_623 = arith.cmpi sge, %ge3A, %ge3A_622 : vector<32x2000xi32>
      %lt3A = vector.broadcast %add3A_446 : vector<1x2000xi32> to vector<32x2000xi32>
      %lt3A_624 = vector.broadcast %get3A_621 : vector<32x1xi32> to vector<32x2000xi32>
      %lt3A_625 = arith.cmpi slt, %lt3A, %lt3A_624 : vector<32x2000xi32>
      %and3A_626 = arith.andi %ge3A_623, %lt3A_625 : vector<32x2000xi1>
      %jit3A_627 = arith.constant 0.000000e+00 : f32
      %broadcast_in_dim3A_628 = vector.shape_cast %transpose3A_404 : vector<1x2000xf32> to vector<1x2000xf32>
      %broadcast_in_dim3A_629 = vector.broadcast %broadcast_in_dim3A_628 : vector<1x2000xf32> to vector<32x2000xf32>
      %broadcast_in_dim3A_630 = vector.broadcast %jit3A_627 : f32 to vector<32x2000xf32>
      %select_n3A_631 = arith.select %and3A_626, %broadcast_in_dim3A_629, %broadcast_in_dim3A_630 : vector<32x2000xi1>, vector<32x2000xf32>
      %get3A_632 = arith.index_cast %add3A_613 : i32 to index
      %get3A_633 = arith.constant 0 : index
      %get3A_634 = vector.load %arg18[%get3A_632, %get3A_633] : memref<288x10xf32, #tpu.memory_space<vmem>>, vector<32x10xf32>
      %dot_general3A_635 = arith.constant dense<0.000000e+00> : vector<32x10xf32>
      %dot_general3A_636 = tpu.matmul %select_n3A_631, %add3A_470, %dot_general3A_635 {dimension_numbers = #tpu.dot_dimension_numbers<[1], [0], [0], [1], [0, 0, 1, 1], [], []>, transpose_lhs_hint = false} : vector<32x2000xf32>, vector<2000x10xf32>, vector<32x10xf32> -> vector<32x10xf32>
      %add3A_637 = arith.addf %get3A_634, %dot_general3A_636 : vector<32x10xf32>
      %swap3A = arith.index_cast %add3A_613 : i32 to index
      %swap3A_638 = arith.constant 0 : index
      %swap3A_639 = vector.load %arg18[%swap3A, %swap3A_638] : memref<288x10xf32, #tpu.memory_space<vmem>>, vector<32x10xf32>
      tpu.vector_store %arg18[%swap3A, %swap3A_638], %add3A_637 {strides = array<i32>} : memref<288x10xf32, #tpu.memory_space<vmem>>, vector<32x10xf32>,
    }
    %while3A_480 = arith.constant 1 : i32
    scf.for %while3A_610 = %while3A_478 to %while3A_474 step %while3A_480  : i32 {
      %mul3A_611 = arith.constant 32 : i32
      %mul3A_612 = arith.muli %while3A_610, %mul3A_611 : i32
      %add3A_613 = arith.addi %get3A_411, %mul3A_612 : i32
      %get3A_614 = arith.index_cast %add3A_613 : i32 to index
      %get3A_615 = arith.constant 0 : index
      %get3A_616 = vector.load %arg4[%get3A_614, %get3A_615] : memref<384x1xi32, #tpu.memory_space<vmem>>, vector<32x1xi32>
      %add3A_617 = arith.constant 1 : i32
      %add3A_618 = arith.addi %add3A_613, %add3A_617 : i32
      %get3A_619 = arith.index_cast %add3A_618 : i32 to index
      %get3A_620 = arith.constant 0 : index
      %get3A_621 = vector.load %arg4[%get3A_619, %get3A_620] : memref<384x1xi32, #tpu.memory_space<vmem>>, vector<32x1xi32>
      %ge3A = vector.broadcast %add3A_446 : vector<1x2000xi32> to vector<32x2000xi32>
      %ge3A_622 = vector.broadcast %get3A_616 : vector<32x1xi32> to vector<32x2000xi32>
      %ge3A_623 = arith.cmpi sge, %ge3A, %ge3A_622 : vector<32x2000xi32>
      %lt3A = vector.broadcast %add3A_446 : vector<1x2000xi32> to vector<32x2000xi32>
      %lt3A_624 = vector.broadcast %get3A_621 : vector<32x1xi32> to vector<32x2000xi32>
      %lt3A_625 = arith.cmpi slt, %lt3A, %lt3A_624 : vector<32x2000xi32>
      %and3A_626 = arith.andi %ge3A_623, %lt3A_625 : vector<32x2000xi1>
      %jit3A_627 = arith.constant 0.000000e+00 : f32
      %broadcast_in_dim3A_628 = vector.shape_cast %transpose3A_404 : vector<1x2000xf32> to vector<1x2000xf32>
      %broadcast_in_dim3A_629 = vector.broadcast %broadcast_in_dim3A_628 : vector<1x2000xf32> to vector<32x2000xf32>
      %broadcast_in_dim3A_630 = vector.broadcast %jit3A_627 : f32 to vector<32x2000xf32>
      %select_n3A_631 = arith.select %and3A_626, %broadcast_in_dim3A_629, %broadcast_in_dim3A_630 : vector<32x2000xi1>, vector<32x2000xf32>
      %get3A_632 = arith.index_cast %add3A_613 : i32 to index
      %get3A_633 = arith.constant 0 : index
      %get3A_634 = vector.load %arg18[%get3A_632, %get3A_633] : memref<288x10xf32, #tpu.memory_space<vmem>>, vector<32x10xf32>
      %dot_general3A_635 = arith.constant dense<0.000000e+00> : vector<32x10xf32>
      %dot_general3A_636 = tpu.matmul %select_n3A_631, %add3A_470, %dot_general3A_635 {dimension_numbers = #tpu.dot_dimension_numbers<[1], [0], [0], [1], [0, 0, 1, 1], [], []>, transpose_lhs_hint = false} : vector<32x2000xf32>, vector<2000x10xf32>, vector<32x10xf32> -> vector<32x10xf32>
      %add3A_637 = arith.addf %get3A_634, %dot_general3A_636 : vector<32x10xf32>
      %swap3A = arith.index_cast %add3A_613 : i32 to index
      %swap3A_638 = arith.constant 0 : index
      %swap3A_639 = vector.load %arg18[%swap3A, %swap3A_638] : memref<288x10xf32, #tpu.memory_space<vmem>>, vector<32x10xf32>
      tpu.vector_store %arg18[%swap3A, %swap3A_638], %add3A_637 {strides = array<i32>} : memref<288x10xf32, #tpu.memory_space<vmem>>, vector<32x10xf32>,
    }
    %mul3A_481 = arith.constant 5 : i32
    %mul3A_482 = arith.muli %arg0, %mul3A_481 : i32
    %add3A_483 = arith.constant 4 : i32
    %add3A_484 = arith.addi %mul3A_482, %add3A_483 : i32
    %mul3A_485 = arith.constant 10000 : i32
    %mul3A_486 = arith.muli %arg0, %mul3A_485 : i32
    %add3A_487 = arith.constant 8000 : i32
    %add3A_488 = arith.addi %mul3A_486, %add3A_487 : i32
    %get3A_489 = arith.constant 8000 : index
    %get3A_490 = arith.constant 0 : index
    %get3A_491 = vector.load %arg3[%get3A_489, %get3A_490] : memref<10000x128xf32, #tpu.memory_space<vmem>>, vector<2000x128xf32>
    %get3A_492 = arith.constant 0 : index
    %get3A_493 = arith.constant 0 : index
    %get3A_494 = vector.load %arg6[%get3A_492, %get3A_493] : memref<128x128xf32, #tpu.memory_space<vmem>>, vector<128x128xf32>
    %dot_general3A_495 = arith.constant dense<0.000000e+00> : vector<2000x128xf32>
    %dot_general3A_496 = tpu.matmul %get3A_491, %get3A_494, %dot_general3A_495 {dimension_numbers = #tpu.dot_dimension_numbers<[1], [0], [0], [1], [0, 0, 1, 1], [], []>, transpose_lhs_hint = false} : vector<2000x128xf32>, vector<128x128xf32>, vector<2000x128xf32> -> vector<2000x128xf32>
    %get3A_497 = arith.constant 0 : index
    %get3A_498 = vector.load %arg7[%get3A_497] : memref<128xf32, #tpu.memory_space<vmem>>, vector<128xf32>
    %broadcast_in_dim3A_499 = vector.shape_cast %get3A_498 : vector<128xf32> to vector<1x128xf32>
    %add3A_500 = vector.broadcast %broadcast_in_dim3A_499 : vector<1x128xf32> to vector<2000x128xf32>
    %add3A_501 = arith.addf %dot_general3A_496, %add3A_500 : vector<2000x128xf32>
    %max3A_502 = arith.constant 0.000000e+00 : f32
    %max3A_503 = vector.broadcast %max3A_502 : f32 to vector<2000x128xf32>
    %max3A_504 = arith.maximumf %add3A_501, %max3A_503 : vector<2000x128xf32>
    %get3A_505 = arith.constant 0 : index
    %get3A_506 = arith.constant 0 : index
    %get3A_507 = vector.load %arg8[%get3A_505, %get3A_506] : memref<128x64xf32, #tpu.memory_space<vmem>>, vector<128x64xf32>
    %dot_general3A_508 = arith.constant dense<0.000000e+00> : vector<2000x64xf32>
    %dot_general3A_509 = tpu.matmul %max3A_504, %get3A_507, %dot_general3A_508 {dimension_numbers = #tpu.dot_dimension_numbers<[1], [0], [0], [1], [0, 0, 1, 1], [], []>, transpose_lhs_hint = false} : vector<2000x128xf32>, vector<128x64xf32>, vector<2000x64xf32> -> vector<2000x64xf32>
    %get3A_510 = arith.constant 0 : index
    %get3A_511 = vector.load %arg9[%get3A_510] : memref<64xf32, #tpu.memory_space<vmem>>, vector<64xf32>
    %broadcast_in_dim3A_512 = vector.shape_cast %get3A_511 : vector<64xf32> to vector<1x64xf32>
    %add3A_513 = vector.broadcast %broadcast_in_dim3A_512 : vector<1x64xf32> to vector<2000x64xf32>
    %add3A_514 = arith.addf %dot_general3A_509, %add3A_513 : vector<2000x64xf32>
    %max3A_515 = arith.constant 0.000000e+00 : f32
    %max3A_516 = vector.broadcast %max3A_515 : f32 to vector<2000x64xf32>
    %max3A_517 = arith.maximumf %add3A_514, %max3A_516 : vector<2000x64xf32>
    %get3A_518 = arith.constant 0 : index
    %get3A_519 = arith.constant 0 : index
    %get3A_520 = vector.load %arg10[%get3A_518, %get3A_519] : memref<64x1xf32, #tpu.memory_space<vmem>>, vector<64x1xf32>
    %dot_general3A_521 = arith.constant dense<0.000000e+00> : vector<2000x1xf32>
    %dot_general3A_522 = tpu.matmul %max3A_517, %get3A_520, %dot_general3A_521 {dimension_numbers = #tpu.dot_dimension_numbers<[1], [0], [0], [1], [0, 0, 1, 1], [], []>, transpose_lhs_hint = false} : vector<2000x64xf32>, vector<64x1xf32>, vector<2000x1xf32> -> vector<2000x1xf32>
    %get3A_523 = arith.constant 0 : index
    %get3A_524 = vector.load %arg11[%get3A_523] : memref<1xf32, #tpu.memory_space<vmem>>, vector<1xf32>
    %broadcast_in_dim3A_525 = vector.shape_cast %get3A_524 : vector<1xf32> to vector<1x1xf32>
    %add3A_526 = vector.broadcast %broadcast_in_dim3A_525 : vector<1x1xf32> to vector<2000x1xf32>
    %add3A_527 = arith.addf %dot_general3A_522, %add3A_526 : vector<2000x1xf32>
    %transpose3A_528 = tpu.transpose %add3A_527, [1, 0] : vector<2000x1xf32> -> vector<1x2000xf32>
    %get3A_529 = arith.constant 0 : index
    %get3A_530 = arith.constant 0 : index
    %get3A_531 = vector.load %arg12[%get3A_529, %get3A_530] : memref<256x128xf32, #tpu.memory_space<vmem>>, vector<128x128xf32>
    %dot_general3A_532 = arith.constant dense<0.000000e+00> : vector<2000x128xf32>
    %dot_general3A_533 = tpu.matmul %get3A_491, %get3A_531, %dot_general3A_532 {dimension_numbers = #tpu.dot_dimension_numbers<[1], [0], [0], [1], [0, 0, 1, 1], [], []>, transpose_lhs_hint = false} : vector<2000x128xf32>, vector<128x128xf32>, vector<2000x128xf32> -> vector<2000x128xf32>
    %get3A_534 = arith.index_cast %add3A_484 : i32 to index
    %get3A_535 = memref.load %arg1[%get3A_534] : memref<50xi32, #tpu.memory_space<smem>>
    %get3A_536 = arith.index_cast %add3A_484 : i32 to index
    %get3A_537 = memref.load %arg2[%get3A_536] : memref<50xi32, #tpu.memory_space<smem>>
    %sub3A_538 = arith.subi %get3A_537, %get3A_535 : i32
    %jit3A_539 = arith.constant 32 : i32
    %div3A_540 = arith.divsi %sub3A_538, %jit3A_539 : i32
    %sign3A_541 = arith.constant 0 : i32
    %sign3A_542 = arith.cmpi sgt, %sub3A_538, %sign3A_541 : i32
    %sign3A_543 = arith.extui %sign3A_542 : i1 to i32
    %sign3A_544 = arith.constant 0 : i32
    %sign3A_545 = arith.cmpi slt, %sub3A_538, %sign3A_544 : i32
    %sign3A_546 = arith.extui %sign3A_545 : i1 to i32
    %sign3A_547 = arith.subi %sign3A_543, %sign3A_546 : i32
    %sign3A_548 = arith.constant 0 : i32
    %sign3A_549 = arith.cmpi sgt, %jit3A_539, %sign3A_548 : i32
    %sign3A_550 = arith.extui %sign3A_549 : i1 to i32
    %sign3A_551 = arith.constant 0 : i32
    %sign3A_552 = arith.cmpi slt, %jit3A_539, %sign3A_551 : i32
    %sign3A_553 = arith.extui %sign3A_552 : i1 to i32
    %sign3A_554 = arith.subi %sign3A_550, %sign3A_553 : i32
    %ne3A_555 = arith.cmpi ne, %sign3A_547, %sign3A_554 : i32
    %rem3A_556 = arith.remsi %sub3A_538, %jit3A_539 : i32
    %ne3A_557 = arith.constant 0 : i32
    %ne3A_558 = arith.cmpi ne, %rem3A_556, %ne3A_557 : i32
    %and3A_559 = arith.andi %ne3A_555, %ne3A_558 : i1
    %sub3A_560 = arith.constant 1 : i32
    %sub3A_561 = arith.subi %div3A_540, %sub3A_560 : i32
    %select_n3A_562 = arith.select %and3A_559, %sub3A_561, %div3A_540 : i32
    %add3A_563 = arith.constant 1 : i32
    %add3A_564 = arith.addi %select_n3A_562, %add3A_563 : i32
    %iota3A_565 = tpu.iota {dimensions = array<i32: 0>} : vector<2000x1xi32>
    %add3A_566 = vector.broadcast %add3A_488 : i32 to vector<2000x1xi32>
    %add3A_567 = arith.addi %add3A_566, %iota3A_565 : vector<2000x1xi32>
    %iota3A_568 = tpu.iota {dimensions = array<i32: 1>} : vector<1x2000xi32>
    %add3A_569 = vector.broadcast %add3A_488 : i32 to vector<1x2000xi32>
    %add3A_570 = arith.addi %add3A_569, %iota3A_568 : vector<1x2000xi32>
    %while3A_571 = arith.constant 0 : i32
    %while3A_572 = arith.subi %add3A_564, %while3A_571 : i32
    %while3A_573 = arith.addi %while3A_571, %while3A_572 : i32
    %while3A_574 = arith.constant 1 : i32
    %while3A_575 = arith.divsi %while3A_572, %while3A_574 : i32
    %while3A_576 = arith.muli %while3A_575, %while3A_574 : i32
    %while3A_577 = arith.addi %while3A_571, %while3A_576 : i32
    %while3A_578 = arith.constant 1 : i32
    %while3A_579 = scf.for %while3A_610 = %while3A_571 to %while3A_577 step %while3A_578 iter_args(%while3A_611 = %dot_general3A_533) -> (vector<2000x128xf32>)  : i32 {
      %mul3A_612 = arith.constant 32 : i32
      %mul3A_613 = arith.muli %while3A_610, %mul3A_612 : i32
      %add3A_614 = arith.addi %get3A_535, %mul3A_613 : i32
      %get3A_615 = arith.index_cast %add3A_614 : i32 to index
      %get3A_616 = arith.constant 0 : index
      %get3A_617 = vector.load %arg4[%get3A_615, %get3A_616] : memref<384x1xi32, #tpu.memory_space<vmem>>, vector<32x1xi32>
      %transpose3A_618 = tpu.transpose %get3A_617, [1, 0] : vector<32x1xi32> -> vector<1x32xi32>
      %add3A_619 = arith.constant 1 : i32
      %add3A_620 = arith.addi %add3A_614, %add3A_619 : i32
      %get3A_621 = arith.index_cast %add3A_620 : i32 to index
      %get3A_622 = arith.constant 0 : index
      %get3A_623 = vector.load %arg4[%get3A_621, %get3A_622] : memref<384x1xi32, #tpu.memory_space<vmem>>, vector<32x1xi32>
      %transpose3A_624 = tpu.transpose %get3A_623, [1, 0] : vector<32x1xi32> -> vector<1x32xi32>
      %ge3A = vector.broadcast %add3A_567 : vector<2000x1xi32> to vector<2000x32xi32>
      %ge3A_625 = vector.broadcast %transpose3A_618 : vector<1x32xi32> to vector<2000x32xi32>
      %ge3A_626 = arith.cmpi sge, %ge3A, %ge3A_625 : vector<2000x32xi32>
      %lt3A = vector.broadcast %add3A_567 : vector<2000x1xi32> to vector<2000x32xi32>
      %lt3A_627 = vector.broadcast %transpose3A_624 : vector<1x32xi32> to vector<2000x32xi32>
      %lt3A_628 = arith.cmpi slt, %lt3A, %lt3A_627 : vector<2000x32xi32>
      %and3A_629 = arith.andi %ge3A_626, %lt3A_628 : vector<2000x32xi1>
      %convert_element_type3A_630 = arith.extui %and3A_629 : vector<2000x32xi1> to vector<2000x32xi32>
      %convert_element_type3A_631 = arith.sitofp %convert_element_type3A_630 : vector<2000x32xi32> to vector<2000x32xf32>
      %get3A_632 = arith.index_cast %add3A_614 : i32 to index
      %get3A_633 = arith.constant 0 : index
      %get3A_634 = vector.load %arg17[%get3A_632, %get3A_633] : memref<288x128xf32, #tpu.memory_space<vmem>>, vector<32x128xf32>
      %dot_general3A_635 = arith.constant dense<0.000000e+00> : vector<2000x128xf32>
      %dot_general3A_636 = tpu.matmul %convert_element_type3A_631, %get3A_634, %dot_general3A_635 {dimension_numbers = #tpu.dot_dimension_numbers<[1], [0], [0], [1], [0, 0, 1, 1], [], []>, transpose_lhs_hint = false} : vector<2000x32xf32>, vector<32x128xf32>, vector<2000x128xf32> -> vector<2000x128xf32>
      %add3A_637 = arith.addf %while3A_611, %dot_general3A_636 : vector<2000x128xf32>
      scf.yield %add3A_637 : vector<2000x128xf32>
    }
    %while3A_580 = arith.constant 1 : i32
    %while3A_581 = scf.for %while3A_610 = %while3A_577 to %while3A_573 step %while3A_580 iter_args(%while3A_611 = %while3A_579) -> (vector<2000x128xf32>)  : i32 {
      %mul3A_612 = arith.constant 32 : i32
      %mul3A_613 = arith.muli %while3A_610, %mul3A_612 : i32
      %add3A_614 = arith.addi %get3A_535, %mul3A_613 : i32
      %get3A_615 = arith.index_cast %add3A_614 : i32 to index
      %get3A_616 = arith.constant 0 : index
      %get3A_617 = vector.load %arg4[%get3A_615, %get3A_616] : memref<384x1xi32, #tpu.memory_space<vmem>>, vector<32x1xi32>
      %transpose3A_618 = tpu.transpose %get3A_617, [1, 0] : vector<32x1xi32> -> vector<1x32xi32>
      %add3A_619 = arith.constant 1 : i32
      %add3A_620 = arith.addi %add3A_614, %add3A_619 : i32
      %get3A_621 = arith.index_cast %add3A_620 : i32 to index
      %get3A_622 = arith.constant 0 : index
      %get3A_623 = vector.load %arg4[%get3A_621, %get3A_622] : memref<384x1xi32, #tpu.memory_space<vmem>>, vector<32x1xi32>
      %transpose3A_624 = tpu.transpose %get3A_623, [1, 0] : vector<32x1xi32> -> vector<1x32xi32>
      %ge3A = vector.broadcast %add3A_567 : vector<2000x1xi32> to vector<2000x32xi32>
      %ge3A_625 = vector.broadcast %transpose3A_618 : vector<1x32xi32> to vector<2000x32xi32>
      %ge3A_626 = arith.cmpi sge, %ge3A, %ge3A_625 : vector<2000x32xi32>
      %lt3A = vector.broadcast %add3A_567 : vector<2000x1xi32> to vector<2000x32xi32>
      %lt3A_627 = vector.broadcast %transpose3A_624 : vector<1x32xi32> to vector<2000x32xi32>
      %lt3A_628 = arith.cmpi slt, %lt3A, %lt3A_627 : vector<2000x32xi32>
      %and3A_629 = arith.andi %ge3A_626, %lt3A_628 : vector<2000x32xi1>
      %convert_element_type3A_630 = arith.extui %and3A_629 : vector<2000x32xi1> to vector<2000x32xi32>
      %convert_element_type3A_631 = arith.sitofp %convert_element_type3A_630 : vector<2000x32xi32> to vector<2000x32xf32>
      %get3A_632 = arith.index_cast %add3A_614 : i32 to index
      %get3A_633 = arith.constant 0 : index
      %get3A_634 = vector.load %arg17[%get3A_632, %get3A_633] : memref<288x128xf32, #tpu.memory_space<vmem>>, vector<32x128xf32>
      %dot_general3A_635 = arith.constant dense<0.000000e+00> : vector<2000x128xf32>
      %dot_general3A_636 = tpu.matmul %convert_element_type3A_631, %get3A_634, %dot_general3A_635 {dimension_numbers = #tpu.dot_dimension_numbers<[1], [0], [0], [1], [0, 0, 1, 1], [], []>, transpose_lhs_hint = false} : vector<2000x32xf32>, vector<32x128xf32>, vector<2000x128xf32> -> vector<2000x128xf32>
      %add3A_637 = arith.addf %while3A_611, %dot_general3A_636 : vector<2000x128xf32>
      scf.yield %add3A_637 : vector<2000x128xf32>
    }
    %max3A_582 = arith.constant 0.000000e+00 : f32
    %max3A_583 = vector.broadcast %max3A_582 : f32 to vector<2000x128xf32>
    %max3A_584 = arith.maximumf %while3A_581, %max3A_583 : vector<2000x128xf32>
    %get3A_585 = arith.constant 0 : index
    %get3A_586 = arith.constant 0 : index
    %get3A_587 = vector.load %arg14[%get3A_585, %get3A_586] : memref<128x10xf32, #tpu.memory_space<vmem>>, vector<128x10xf32>
    %dot_general3A_588 = arith.constant dense<0.000000e+00> : vector<2000x10xf32>
    %dot_general3A_589 = tpu.matmul %max3A_584, %get3A_587, %dot_general3A_588 {dimension_numbers = #tpu.dot_dimension_numbers<[1], [0], [0], [1], [0, 0, 1, 1], [], []>, transpose_lhs_hint = false} : vector<2000x128xf32>, vector<128x10xf32>, vector<2000x10xf32> -> vector<2000x10xf32>
    %get3A_590 = arith.constant 0 : index
    %get3A_591 = vector.load %arg15[%get3A_590] : memref<10xf32, #tpu.memory_space<vmem>>, vector<10xf32>
    %broadcast_in_dim3A_592 = vector.shape_cast %get3A_591 : vector<10xf32> to vector<1x10xf32>
    %add3A_593 = vector.broadcast %broadcast_in_dim3A_592 : vector<1x10xf32> to vector<2000x10xf32>
    %add3A_594 = arith.addf %dot_general3A_589, %add3A_593 : vector<2000x10xf32>
    %while3A_595 = arith.constant 0 : i32
    %while3A_596 = arith.constant 0 : i32
    %while3A_597 = arith.subi %add3A_564, %while3A_596 : i32
    %while3A_598 = arith.addi %while3A_596, %while3A_597 : i32
    %while3A_599 = arith.constant 1 : i32
    %while3A_600 = arith.divsi %while3A_597, %while3A_599 : i32
    %while3A_601 = arith.muli %while3A_600, %while3A_599 : i32
    %while3A_602 = arith.addi %while3A_596, %while3A_601 : i32
    %while3A_603 = arith.constant 1 : i32
    scf.for %while3A_610 = %while3A_596 to %while3A_602 step %while3A_603  : i32 {
      %mul3A_611 = arith.constant 32 : i32
      %mul3A_612 = arith.muli %while3A_610, %mul3A_611 : i32
      %add3A_613 = arith.addi %get3A_535, %mul3A_612 : i32
      %get3A_614 = arith.index_cast %add3A_613 : i32 to index
      %get3A_615 = arith.constant 0 : index
      %get3A_616 = vector.load %arg4[%get3A_614, %get3A_615] : memref<384x1xi32, #tpu.memory_space<vmem>>, vector<32x1xi32>
      %add3A_617 = arith.constant 1 : i32
      %add3A_618 = arith.addi %add3A_613, %add3A_617 : i32
      %get3A_619 = arith.index_cast %add3A_618 : i32 to index
      %get3A_620 = arith.constant 0 : index
      %get3A_621 = vector.load %arg4[%get3A_619, %get3A_620] : memref<384x1xi32, #tpu.memory_space<vmem>>, vector<32x1xi32>
      %ge3A = vector.broadcast %add3A_570 : vector<1x2000xi32> to vector<32x2000xi32>
      %ge3A_622 = vector.broadcast %get3A_616 : vector<32x1xi32> to vector<32x2000xi32>
      %ge3A_623 = arith.cmpi sge, %ge3A, %ge3A_622 : vector<32x2000xi32>
      %lt3A = vector.broadcast %add3A_570 : vector<1x2000xi32> to vector<32x2000xi32>
      %lt3A_624 = vector.broadcast %get3A_621 : vector<32x1xi32> to vector<32x2000xi32>
      %lt3A_625 = arith.cmpi slt, %lt3A, %lt3A_624 : vector<32x2000xi32>
      %and3A_626 = arith.andi %ge3A_623, %lt3A_625 : vector<32x2000xi1>
      %jit3A_627 = arith.constant 0.000000e+00 : f32
      %broadcast_in_dim3A_628 = vector.shape_cast %transpose3A_528 : vector<1x2000xf32> to vector<1x2000xf32>
      %broadcast_in_dim3A_629 = vector.broadcast %broadcast_in_dim3A_628 : vector<1x2000xf32> to vector<32x2000xf32>
      %broadcast_in_dim3A_630 = vector.broadcast %jit3A_627 : f32 to vector<32x2000xf32>
      %select_n3A_631 = arith.select %and3A_626, %broadcast_in_dim3A_629, %broadcast_in_dim3A_630 : vector<32x2000xi1>, vector<32x2000xf32>
      %get3A_632 = arith.index_cast %add3A_613 : i32 to index
      %get3A_633 = arith.constant 0 : index
      %get3A_634 = vector.load %arg18[%get3A_632, %get3A_633] : memref<288x10xf32, #tpu.memory_space<vmem>>, vector<32x10xf32>
      %dot_general3A_635 = arith.constant dense<0.000000e+00> : vector<32x10xf32>
      %dot_general3A_636 = tpu.matmul %select_n3A_631, %add3A_594, %dot_general3A_635 {dimension_numbers = #tpu.dot_dimension_numbers<[1], [0], [0], [1], [0, 0, 1, 1], [], []>, transpose_lhs_hint = false} : vector<32x2000xf32>, vector<2000x10xf32>, vector<32x10xf32> -> vector<32x10xf32>
      %add3A_637 = arith.addf %get3A_634, %dot_general3A_636 : vector<32x10xf32>
      %swap3A = arith.index_cast %add3A_613 : i32 to index
      %swap3A_638 = arith.constant 0 : index
      %swap3A_639 = vector.load %arg18[%swap3A, %swap3A_638] : memref<288x10xf32, #tpu.memory_space<vmem>>, vector<32x10xf32>
      tpu.vector_store %arg18[%swap3A, %swap3A_638], %add3A_637 {strides = array<i32>} : memref<288x10xf32, #tpu.memory_space<vmem>>, vector<32x10xf32>,
    }
    %while3A_604 = arith.constant 1 : i32
    scf.for %while3A_610 = %while3A_602 to %while3A_598 step %while3A_604  : i32 {
      %mul3A_611 = arith.constant 32 : i32
      %mul3A_612 = arith.muli %while3A_610, %mul3A_611 : i32
      %add3A_613 = arith.addi %get3A_535, %mul3A_612 : i32
      %get3A_614 = arith.index_cast %add3A_613 : i32 to index
      %get3A_615 = arith.constant 0 : index
      %get3A_616 = vector.load %arg4[%get3A_614, %get3A_615] : memref<384x1xi32, #tpu.memory_space<vmem>>, vector<32x1xi32>
      %add3A_617 = arith.constant 1 : i32
      %add3A_618 = arith.addi %add3A_613, %add3A_617 : i32
      %get3A_619 = arith.index_cast %add3A_618 : i32 to index
      %get3A_620 = arith.constant 0 : index
      %get3A_621 = vector.load %arg4[%get3A_619, %get3A_620] : memref<384x1xi32, #tpu.memory_space<vmem>>, vector<32x1xi32>
      %ge3A = vector.broadcast %add3A_570 : vector<1x2000xi32> to vector<32x2000xi32>
      %ge3A_622 = vector.broadcast %get3A_616 : vector<32x1xi32> to vector<32x2000xi32>
      %ge3A_623 = arith.cmpi sge, %ge3A, %ge3A_622 : vector<32x2000xi32>
      %lt3A = vector.broadcast %add3A_570 : vector<1x2000xi32> to vector<32x2000xi32>
      %lt3A_624 = vector.broadcast %get3A_621 : vector<32x1xi32> to vector<32x2000xi32>
      %lt3A_625 = arith.cmpi slt, %lt3A, %lt3A_624 : vector<32x2000xi32>
      %and3A_626 = arith.andi %ge3A_623, %lt3A_625 : vector<32x2000xi1>
      %jit3A_627 = arith.constant 0.000000e+00 : f32
      %broadcast_in_dim3A_628 = vector.shape_cast %transpose3A_528 : vector<1x2000xf32> to vector<1x2000xf32>
      %broadcast_in_dim3A_629 = vector.broadcast %broadcast_in_dim3A_628 : vector<1x2000xf32> to vector<32x2000xf32>
      %broadcast_in_dim3A_630 = vector.broadcast %jit3A_627 : f32 to vector<32x2000xf32>
      %select_n3A_631 = arith.select %and3A_626, %broadcast_in_dim3A_629, %broadcast_in_dim3A_630 : vector<32x2000xi1>, vector<32x2000xf32>
      %get3A_632 = arith.index_cast %add3A_613 : i32 to index
      %get3A_633 = arith.constant 0 : index
      %get3A_634 = vector.load %arg18[%get3A_632, %get3A_633] : memref<288x10xf32, #tpu.memory_space<vmem>>, vector<32x10xf32>
      %dot_general3A_635 = arith.constant dense<0.000000e+00> : vector<32x10xf32>
      %dot_general3A_636 = tpu.matmul %select_n3A_631, %add3A_594, %dot_general3A_635 {dimension_numbers = #tpu.dot_dimension_numbers<[1], [0], [0], [1], [0, 0, 1, 1], [], []>, transpose_lhs_hint = false} : vector<32x2000xf32>, vector<2000x10xf32>, vector<32x10xf32> -> vector<32x10xf32>
      %add3A_637 = arith.addf %get3A_634, %dot_general3A_636 : vector<32x10xf32>
      %swap3A = arith.index_cast %add3A_613 : i32 to index
      %swap3A_638 = arith.constant 0 : index
      %swap3A_639 = vector.load %arg18[%swap3A, %swap3A_638] : memref<288x10xf32, #tpu.memory_space<vmem>>, vector<32x10xf32>
      tpu.vector_store %arg18[%swap3A, %swap3A_638], %add3A_637 {strides = array<i32>} : memref<288x10xf32, #tpu.memory_space<vmem>>, vector<32x10xf32>,
    }
    %eq3A_605 = arith.constant 9 : i32
    %eq3A_606 = arith.cmpi eq, %arg0, %eq3A_605 : i32
    %convert_element_type3A_607 = arith.extui %eq3A_606 : i1 to i32
    %cond3A_608 = arith.constant 0 : i32
    %cond3A_609 = arith.cmpi ne, %convert_element_type3A_607, %cond3A_608 : i32
    scf.if %cond3A_609 {
      %get3A_610 = arith.constant 0 : index
      %get3A_611 = arith.constant 0 : index
      %get3A_612 = vector.load %arg18[%get3A_610, %get3A_611] : memref<288x10xf32, #tpu.memory_space<vmem>>, vector<256x10xf32>
      %swap3A = arith.constant 0 : index
      %swap3A_613 = arith.constant 0 : index
      %swap3A_614 = vector.load %arg16[%swap3A, %swap3A_613] : memref<256x10xf32, #tpu.memory_space<vmem>>, vector<256x10xf32>
      tpu.vector_store %arg16[%swap3A, %swap3A_613], %get3A_612 {strides = array<i32>} : memref<256x10xf32, #tpu.memory_space<vmem>>, vector<256x10xf32>,
    } else {
    }
    return
  }
  func.func @transform_0(%arg0: i32, %arg1: memref<50xi32, #tpu.memory_space<smem>>, %arg2: memref<50xi32, #tpu.memory_space<smem>>) -> (i32, i32) {
    %c0_i32 = arith.constant 0 : i32
    %c0_i32_0 = arith.constant 0 : i32
    return %arg0, %c0_i32 : i32, i32
  }
  func.func @transform_1(%arg0: i32, %arg1: memref<50xi32, #tpu.memory_space<smem>>, %arg2: memref<50xi32, #tpu.memory_space<smem>>) -> (i32, i32) {
    %c0_i32 = arith.constant 0 : i32
    %c0_i32_0 = arith.constant 0 : i32
    %c0_i32_1 = arith.constant 0 : i32
    return %c0_i32, %c0_i32_0 : i32, i32
  }
  func.func @transform_2(%arg0: i32, %arg1: memref<50xi32, #tpu.memory_space<smem>>, %arg2: memref<50xi32, #tpu.memory_space<smem>>) -> (i32, i32, i32) {
    %c0_i32 = arith.constant 0 : i32
    %c0_i32_0 = arith.constant 0 : i32
    %c0_i32_1 = arith.constant 0 : i32
    %c0_i32_2 = arith.constant 0 : i32
    return %c0_i32, %c0_i32_0, %c0_i32_1 : i32, i32, i32
  }
  func.func @transform_3(%arg0: i32, %arg1: memref<50xi32, #tpu.memory_space<smem>>, %arg2: memref<50xi32, #tpu.memory_space<smem>>) -> (i32, i32) {
    %c0_i32 = arith.constant 0 : i32
    %c0_i32_0 = arith.constant 0 : i32
    %c0_i32_1 = arith.constant 0 : i32
    return %c0_i32, %c0_i32_0 : i32, i32
  }
  func.func @transform_4(%arg0: i32, %arg1: memref<50xi32, #tpu.memory_space<smem>>, %arg2: memref<50xi32, #tpu.memory_space<smem>>) -> i32 {
    %c0_i32 = arith.constant 0 : i32
    %c0_i32_0 = arith.constant 0 : i32
    return %c0_i32 : i32
  }
  func.func @transform_5(%arg0: i32, %arg1: memref<50xi32, #tpu.memory_space<smem>>, %arg2: memref<50xi32, #tpu.memory_space<smem>>) -> (i32, i32) {
    %c0_i32 = arith.constant 0 : i32
    %c0_i32_0 = arith.constant 0 : i32
    %c0_i32_1 = arith.constant 0 : i32
    return %c0_i32, %c0_i32_0 : i32, i32
  }
  func.func @transform_6(%arg0: i32, %arg1: memref<50xi32, #tpu.memory_space<smem>>, %arg2: memref<50xi32, #tpu.memory_space<smem>>) -> i32 {
    %c0_i32 = arith.constant 0 : i32
    %c0_i32_0 = arith.constant 0 : i32
    return %c0_i32 : i32
  }
  func.func @transform_7(%arg0: i32, %arg1: memref<50xi32, #tpu.memory_space<smem>>, %arg2: memref<50xi32, #tpu.memory_space<smem>>) -> (i32, i32) {
    %c0_i32 = arith.constant 0 : i32
    %c0_i32_0 = arith.constant 0 : i32
    %c0_i32_1 = arith.constant 0 : i32
    return %c0_i32, %c0_i32_0 : i32, i32
  }
  func.func @transform_8(%arg0: i32, %arg1: memref<50xi32, #tpu.memory_space<smem>>, %arg2: memref<50xi32, #tpu.memory_space<smem>>) -> i32 {
    %c0_i32 = arith.constant 0 : i32
    %c0_i32_0 = arith.constant 0 : i32
    return %c0_i32 : i32
  }
  func.func @transform_9(%arg0: i32, %arg1: memref<50xi32, #tpu.memory_space<smem>>, %arg2: memref<50xi32, #tpu.memory_space<smem>>) -> (i32, i32) {
    %c0_i32 = arith.constant 0 : i32
    %c0_i32_0 = arith.constant 0 : i32
    %c0_i32_1 = arith.constant 0 : i32
    return %c0_i32, %c0_i32_0 : i32, i32
  }
  func.func @transform_10(%arg0: i32, %arg1: memref<50xi32, #tpu.memory_space<smem>>, %arg2: memref<50xi32, #tpu.memory_space<smem>>) -> i32 {
    %c0_i32 = arith.constant 0 : i32
    %c0_i32_0 = arith.constant 0 : i32
    return %c0_i32 : i32
  }
  func.func @transform_11(%arg0: i32, %arg1: memref<50xi32, #tpu.memory_space<smem>>, %arg2: memref<50xi32, #tpu.memory_space<smem>>) -> (i32, i32) {
    %c0_i32 = arith.constant 0 : i32
    %c0_i32_0 = arith.constant 0 : i32
    %c0_i32_1 = arith.constant 0 : i32
    return %c0_i32, %c0_i32_0 : i32, i32
  }
  func.func @transform_12(%arg0: i32, %arg1: memref<50xi32, #tpu.memory_space<smem>>, %arg2: memref<50xi32, #tpu.memory_space<smem>>) -> i32 {
    %c0_i32 = arith.constant 0 : i32
    %c0_i32_0 = arith.constant 0 : i32
    return %c0_i32 : i32
  }
  func.func @transform_13(%arg0: i32, %arg1: memref<50xi32, #tpu.memory_space<smem>>, %arg2: memref<50xi32, #tpu.memory_space<smem>>) -> (i32, i32) {
    %c0_i32 = arith.constant 0 : i32
    %c0_i32_0 = arith.constant 0 : i32
    %c0_i32_1 = arith.constant 0 : i32
    return %c0_i32, %c0_i32_0 : i32, i32
  }
}

</mosaic_0001>

<sc_bundles>
// kernel: kernel.4.cloned.1.call-start
scs
__scs_entry_jumppad:
0x0: {  	(pc) =	sbr.rel $0x88, $3  }
0x1: {  	(tag) =	ssettag $0x0;
	lr =	simm.s32 $0x1  }
0x2: {  	[smem:$0x3F95] =	sst lr;
	_ =	strace $0xD0000000  }
0x3: {  	_ = 	snop  }
0x4: {  	_ = 	snop  }
0x5: {  	_ = 	snop  }
0x6: {  	_ = 	snop  }
0x7: {  	_ = 	snop  }
__scs_overlays_trampoline_lowered:
0x8: {  	[smem:$0x3FA4] =	sst s0  }
0x9: {  	[smem:$0x3FA5] =	sst s1  }
0xa: {  	[smem:$0x3FA6] =	sst s2  }
0xb: {  	[smem:$0x3FA7] =	sst s3  }
0xc: {  	[smem:$0x3FA8] =	sst s4  }
0xd: {  	[smem:$0x3FA9] =	sst s5  }
0xe: {  	[smem:$0x3FAA] =	sst s6  }
0xf: {  	[smem:$0x3FAB] =	sst s7  }
0x10: {  	[smem:$0x3FAC] =	sst s8  }
0x11: {  	[smem:$0x3FAD] =	sst s9;
	s0 =	simm.s32 @!p0 $0x0  }
0x12: {  	s1 =	sld [smem:$0x3F93];
	s0 =	simm.s32 @p0 $0x1  }
0x13: {  	[smem:$0x3FAE] =	sst s0;
	s0 =	simm.s32 @!p1 $0x0  }
0x14: {  	s2 =	sld [smem:$0x3F92];
	s0 =	simm.s32 @p1 $0x1  }
0x15: {  	[smem:$0x3FAF] =	sst s0;
	s0 =	simm.s32 @!p2 $0x0  }
0x16: {  	s3 =	sld [smem:$0x3FDB];
	s0 =	simm.s32 @p2 $0x1  }
0x17: {  	s4 =	simm.s32 $0x1BF5;
	[smem:$0x3FB1] =	sst s0  }
0x18: {  	s0 =	sld [smem:$0x3F94];
	_ =	swait.ge [sflag:s4], $0x0  }
0x19: {  	s7 =	sld [smem:$0x3F95]  }
0x1a: {  	s8 =	sadd.s32 $0xFFFFE003, lr  }
0x1b: {  	s9 =	sadd.s32 $0xFFFFFEF7, lr;
	s5 =	simm.s32 $0xFFFFFFFF;
	p2 =	slt.u32 s8, $0xFFFFF086  }
0x1c: {  	p1 =	slt.u32 s9, $0xF7A;
	s5 =	simm.s32 @!p2 $0x0  }
0x1d: {  	s5 =	simm.s32 @p1 $0x1;
	p0 =	seq.s32 s7, s2  }
0x1e: {  	s7 =	smul.u32 @!p0 $0xF7A, s2;
	p2 =	seq.s32 @!p0 s5, $0x0  }
0x1f: {  	s9 =	smul.u32 $0xF7A, s1;
	s8 =	simm.s32 @!p0 $0x1BF5;
	p2 =	por !p2, p0  }
0x20: {  	[sflag:s8] =	ssyncset.s32 @!p0 $0xFFFFF086;
	s6 =	sadd.s32 @!p0 s3, s7;
	s7 =	simm.s32 @!p0 $0x108  }
0x21: {  	s3 =	sadd.s32 s3, s9;
	s6 =	sadd.s32 @!p0 $0x88, s6;
	s7 =	simm.s32 @p2 $0x1082  }
0x22: {  	[simem:s7], [sflag:s8] =	dma.local @!p0 [hbm:s6], $0xF7A  }
0x23: {  	s9 =	sor.u32 $0xD0000000, s2;
	s6 =	simm.s32 $0x108;
	_ =	swait.ge @!p0 [sflag:s8], $0x0  }
0x24: {  	s3 =	sadd.s32 $0x88, s3;
	s6 =	simm.s32 @!p1 $0x1082;
	[sflag:s4] =	ssyncset.s32 $0xFFFFF086  }
0x25: {  	[simem:s6], [sflag:s4] =	dma.local [hbm:s3], $0xF7A  }
0x26: {  	[smem:$0x3F95] =	sst s1;
	(tag) =	ssettag s2;
	_ =	strace s9  }
0x27: {  	s1 =	sld [smem:$0x3FA5]  }
0x28: {  	s2 =	sld [smem:$0x3FA6]  }
0x29: {  	s4 =	sld [smem:$0x3FA8]  }
0x2a: {  	p0 =	seq.s32 s5, $0x0;
	s5 =	sld [smem:$0x3FA9]  }
0x2b: {  	s6 =	sld [smem:$0x3FAA]  }
0x2c: {  	s7 =	sld [smem:$0x3FAB]  }
0x2d: {  	s3 =	simm.s32 $0x108;
	s8 =	sld [smem:$0x3FAC]  }
0x2e: {  	s3 =	simm.s32 @!p0 $0x1082;
	s9 =	sld [smem:$0x3FAD]  }
0x2f: {  	lr =	sadd.s32 s0, s3;
	s0 =	sld [smem:$0x3FA4]  }
0x30: {  	s3 =	sld [smem:$0x3FA7]  }
0x31: {  	[smem:$0x3FB0] =	sst s10  }
0x32: {  	s10 =	sld [smem:$0x3FAE];
	_ =	sdelay $0x3  }
0x33: {  	p0 =	seq.s32 s10, $0x1;
	s10 =	sld [smem:$0x3FB0];
	_ =	sdelay $0x3  }
0x34: {  	[smem:$0x3FB0] =	sst s10  }
0x35: {  	s10 =	sld [smem:$0x3FAF];
	_ =	sdelay $0x3  }
0x36: {  	p1 =	seq.s32 s10, $0x1;
	s10 =	sld [smem:$0x3FB0];
	_ =	sdelay $0x3  }
0x37: {  	[smem:$0x3FB0] =	sst s10  }
0x38: {  	s10 =	sld [smem:$0x3FB1]  }
0x39: {  	_ = 	snop;
	(pc) =	sbr.ind lr, $3  }
0x3a: {  	_ = 	snop  }
0x3b: {  	_ = 	snop  }
0x3c: {  	p2 =	seq.s32 s10, $0x1;
	s10 =	sld [smem:$0x3FB0]  }
0x3d: {  	_ =	shalt  }
0x3e: {  	_ =	shalt  }
0x3f: {  	_ =	shalt  }
0x40: {  	_ =	shalt  }
0x41: {  	_ =	shalt  }
0x42: {  	_ =	shalt  }
0x43: {  	_ =	shalt  }
0x44: {  	_ =	shalt  }
0x45: {  	_ =	shalt  }
0x46: {  	_ =	shalt  }
0x47: {  	_ =	shalt  }
0x48: {  	_ =	shalt  }
0x49: {  	_ =	shalt  }
0x4a: {  	_ =	shalt  }
0x4b: {  	_ =	shalt  }
0x4c: {  	_ =	shalt  }
0x4d: {  	_ =	shalt  }
0x4e: {  	_ =	shalt  }
0x4f: {  	_ =	shalt  }
0x50: {  	_ =	shalt  }
0x51: {  	_ =	shalt  }
0x52: {  	_ =	shalt  }
0x53: {  	_ =	shalt  }
0x54: {  	_ =	shalt  }
0x55: {  	_ =	shalt  }
0x56: {  	_ =	shalt  }
0x57: {  	_ =	shalt  }
0x58: {  	_ =	shalt  }
0x59: {  	_ =	shalt  }
0x5a: {  	_ =	shalt  }
0x5b: {  	_ =	shalt  }
0x5c: {  	_ =	shalt  }
0x5d: {  	_ =	shalt  }
0x5e: {  	_ =	shalt  }
0x5f: {  	_ =	shalt  }
0x60: {  	_ =	shalt  }
0x61: {  	_ =	shalt  }
0x62: {  	_ =	shalt  }
0x63: {  	_ =	shalt  }
0x64: {  	_ =	shalt  }
0x65: {  	_ =	shalt  }
0x66: {  	_ =	shalt  }
0x67: {  	_ =	shalt  }
0x68: {  	_ =	shalt  }
0x69: {  	_ =	shalt  }
0x6a: {  	_ =	shalt  }
0x6b: {  	_ =	shalt  }
0x6c: {  	_ =	shalt  }
0x6d: {  	_ =	shalt  }
0x6e: {  	_ =	shalt  }
0x6f: {  	_ =	shalt  }
0x70: {  	_ =	shalt  }
0x71: {  	_ =	shalt  }
0x72: {  	_ =	shalt  }
0x73: {  	_ =	shalt  }
0x74: {  	_ =	shalt  }
0x75: {  	_ =	shalt  }
0x76: {  	_ =	shalt  }
0x77: {  	_ =	shalt  }
0x78: {  	_ =	shalt  }
0x79: {  	_ =	shalt  }
0x7a: {  	_ =	shalt  }
0x7b: {  	_ =	shalt  }
0x7c: {  	_ =	shalt  }
0x7d: {  	_ =	shalt  }
0x7e: {  	_ =	shalt  }
0x7f: {  	_ =	shalt  }
0x80: {  	_ =	shalt  }
0x81: {  	_ =	shalt  }
0x82: {  	_ =	shalt  }
0x83: {  	_ =	shalt  }
0x84: {  	_ =	shalt  }
0x85: {  	_ =	shalt  }
0x86: {  	_ =	shalt  }
0x87: {  	_ =	shalt  }
.Lfunc_end0:
.L_simem_size_0:
called_computation_lowered:
.L_overlay_start_0:
0x88: {  	s2 =	sld [smem:$0x3FD9]  }
0x89: {  	s3 =	sld [smem:$0x3FFE];
	_ =	sdelay $0x1  }
0x8a: {  	s1 =	srdreg.scid  }
0x8b: {  	s0 =	sand.u32 $0x1, s1  }
0x8c: {  	s17 =	sshll.u32 s0, $0xA;
	s2 =	sadd.s32 s3, s2  }
0x8d: {  	s2 =	sadd.s32 s2, s17  }
0x8e: {  	[smem:$0x3FBC] =	sst s2  }
0x8f: {  	_ = 	snop  }
0x90: {  	s2 =	sld [smem:$0x3FC9]  }
0x91: {  	s18 =	sld [smem:$0x3FC8];
	(tm) =	ssettm $0x1  }
0x92: {  	s4 =	sld [smem:$0x3FFB];
	_ =	sdelay $0x3  }
0x93: {  	_ =	strace s4  }
0x94: {  	s4 =	sld [smem:$0x3FFC];
	_ =	sdelay $0x3  }
0x95: {  	_ =	strace s4  }
0x96: {  	s4 =	sld [smem:$0x3FFD];
	_ =	sdelay $0x3  }
0x97: {  	_ =	strace s4  }
0x98: {  	_ =	strace $0x8FFFFFFF  }
0x99: {  	s19 =	sld [smem:$0x3FDB];
	_ =	sdelay $0x1  }
0x9a: {  	s5 =	simm.s32 $_scs_section_size  }
0x9b: {  	s6 =	simm.s32 $_size__tile_overlayer_lowered;
	s7 =	simm.s32 $_tile_overlayer_lowered  }
0x9c: {  	s22 =	simm.s32 $0x1BFF;
	s21 =	sshll.u32 s7, $0x1;
	s4 =	sadd.s32 s5, s19  }
0x9d: {  	s8 =	simm.s32 $0x0;
	s20 =	sshll.u32 s6, $0x1;
	s6 =	sadd.s32 s21, s4  }
0x9e: {  	[timem:s8], [sflag:s22] =	dma.local [hbm:s6], s20  }
0x9f: {  	_ =	swait.ge [sflag:s22], s20  }
0xa0: {  	s5 =	ssub.s32 $0x0, s20;
	[sflag:s22] =	ssyncset.done $0x0  }
0xa1: {  	[sflag:s22] =	ssyncadd.s32 s5;
	_ =	sdelay $0x1  }
0xa2: {  	s23 =	simm.s32 $0x1B8B  }
0xa3: {  	_ =	swait.ge [sflag:s23], $0x1  }
0xa4: {  	[sflag:s23] =	ssyncset.done $0x0  }
0xa5: {  	s25 =	simm.s32 $0x1B8E;
	s24 =	sld [smem:$0x3FFE];
	[sflag:s23] =	ssyncadd.s32 $0xFFFFFFFF  }
0xa6: {  	s26 =	simm.s32 $execute0_lowered;
	[smem:$0x3FD2] =	sst s25  }
0xa7: {  	s6 =	sshll.u32 s26, $0x1;
	_ =	strace $0x80000046;
	[dreg:$0x1] =	wrdreg $0xFFFFFFFF  }
0xa8: {  	s28 =	simm.s32 $_size_execute0_lowered;
	s4 =	sadd.s32 s4, s6;
	[dreg:$0x0] =	wrdreg $0x0  }
0xa9: {  	s6 =	sshll.u32 s28, $0x1;
	[dreg:$0x2] =	wrdreg s4  }
0xaa: {  	[dreg:$0x3] =	wrdreg s6  }
0xab: {  	[dreg:$0x4] =	wrdreg $0xC0  }
0xac: {  	_ =	task [dreg:s8], $0x5FFFF  }
0xad: {  	[dreg:$0x1] =	wrdreg $0xFFFFFFFF  }
0xae: {  	[dreg:$0x0] =	wrdreg $0x60  }
0xaf: {  	[dreg:$0x2] =	wrdreg s2  }
0xb0: {  	[dreg:$0x3] =	wrdreg s18  }
0xb1: {  	[dreg:$0x4] =	wrdreg s24  }
0xb2: {  	[dreg:$0x5] =	wrdreg $0xA2000  }
0xb3: {  	[dreg:$0x6] =	wrdreg $0x9  }
0xb4: {  	_ =	task.clear_ibuf [dreg:s8], $0x7FFFF;
	_ =	strace $0x90000046  }
0xb5: {  	s29 =	simm.s32 $0x9;
	_ =	strace $0x80000048  }
0xb6: {  	_ =	swait.ge [sflag:s29], $0x1  }
0xb7: {  	[sflag:s29] =	ssyncadd.s32 $0xFFFFFFFF  }
0xb8: {  	_ =	strace $0x90000048  }
0xb9: {  	_ =	sfence  }
0xba: {  	s30 =	sld [smem:$0x0];
	_ =	sdelay $0x2  }
0xbb: {  	s31 =	sshll.u32 s1, $0xD;
	s1 =	sshrl.u32 s1, $0x2  }
0xbc: {  	s3 =	sand.u32 $0x4000, s31;
	s1 =	sadd.s32 s1, s30  }
0xbd: {  	s0 =	sor.u32 s3, s0;
	s1 =	sshll.u32 s1, $0x11  }
0xbe: {  	s0 =	sor.u32 s1, s0  }
0xbf: {  	s0 =	sadd.s32 $0x8F2B, s0  }
0xc0: {  	[sflag:s0] =	ssyncadd.remote.s32 $0x1  }
0xc1: {  	_ =	sfence.sel $0xFFFF  }
0xc2: {  	[dreg:$0x0] =	wrdreg $0xFFFFFFFF;
	(pc) =	sbr.abs _section_cstart, $3  }
0xc3: {  	[dreg:$0x1] =	wrdreg $0xFFFFFFFF  }
0xc4: {  	_ =	task.clear_ibuf [dreg:s8], $0x2FFFF;
	_ =	strace $0x9FFFFFFF  }
0xc5: {  	(tm) =	ssettm $0x7FFFFFFF  }
tec
execute0_lowered:
.L_overlay_start_1:
0x0: {  	(tag) =	ssettag $0x1  }
0x1: {  	s0 =	rddreg [dreg:$0x0]  }
0x2: {  	s3 =	rddreg [dreg:$0x1]  }
0x3: {  	s4 =	rddreg [dreg:$0x2]  }
0x4: {  	s1 =	rddreg [dreg:$0x3]  }
0x5: {  	s5 =	srdreg.scid;
	s6 =	stileid.u32  }
0x6: {  	s2 =	simm.s32 $0x0;
	s28 =	simm.s32 $0x6;
	s29 =	simm.s32 $0x9  }
0x7: {  	s30 =	simm.s32 $0x3;
	s31 =	simm.s32 $0x7;
	s22 =	smul.u32 $0x14, s6  }
0x8: {  	s5 =	sand.u32 $0x1, s5;
	s7 =	sshll.u32 s6, $0x1;
	s25 =	smul.u32 $0xA00, s6  }
0x9: {  	[smem:$0x7FF] =	sst s2;
	s10 =	sadd.s32 $0x1E00, s4;
	s8 =	smul.u32 $0x1200, s5  }
0xa: {  	p0 =	sne.s32 s6, $0x0;
	p1 =	seq.s32 s6, $0x0;
	s24 =	smul.u32 $0xA, s5  }
0xb: {  	s6 =	simm.s32 $0xC;
	s7 =	sor.u32 s5, s7;
	s26 =	smul.u32 $0x500, s5  }
0xc: {  	_ =	strace $0x80000047;
	[dreg:$0x6] =	wrdreg s10;
	s9 =	smul.u32 $0x500, s7  }
0xd: {  	s12 =	ssub.s32 $0x2, s5;
	s5 =	simm.s32 $0xB;
	s11 =	smul.u32 $0x50, s7  }
0xe: {  	s13 =	sshrl.u32 s12, $0x1;
	s7 =	smul.u32 $0xA, s7;
	s4 =	sadd.s32 s8, s4  }
0xf: {  	s8 =	ssub.s32 s12, s13;
	s9 =	sadd.s32 s0, s9;
	s14 =	sadd.s32 $0xA00, s11  }
0x10: {  	s7 =	sadd.s32 s3, s7;
	s16 =	sadd.s32 $0x1400, s11;
	s21 =	sor.u32 $0x18600, s11  }
0x11: {  	s4 =	sadd.s32 $0x3000, s4;
	s13 =	smax.u32 s8, $0x1;
	[dreg:$0x7] =	wrdreg s9  }
0x12: {  	[dreg:$0x8] =	wrdreg s7;
	s15 =	sshll.u32 s14, $0x4;
	s17 =	sshrl.u32 s14, $0x3  }
0x13: {  	s18 =	sshll.u32 s16, $0x4;
	s20 =	sshrl.u32 s16, $0x3;
	s23 =	sshll.u32 s21, $0x4  }
0x14: {  	[dreg:$0xf] =	wrdreg s4;
	s16 =	simm.s32 $0x2800;
	s4 =	simm.s32 $0x8  }
0x15: {  	s7 =	sadd.s32 s0, s15;
	s19 =	sadd.s32 s0, s18;
	s10 =	sadd.s32 s0, s23  }
0x16: {  	s0 =	sadd.s32 s25, s0;
	s15 =	sshrl.u32 @!p0 s1, $0x3;
	[dreg:$0x9] =	wrdreg s7  }
0x17: {  	s18 =	simm.s32 $0x5080;
	s23 =	simm.s32 $0x50;
	[dreg:$0xb] =	wrdreg s19  }
0x18: {  	s25 =	simm.s32 $0xA180;
	s7 =	sadd.s32 s3, s17;
	[dreg:$0xd] =	wrdreg s10  }
0x19: {  	s0 =	sadd.s32 s26, s0;
	s17 =	simm.s32 $0x2880;
	s19 =	simm.s32 $0x5100  }
0x1a: {  	s26 =	simm.s32 $0x2;
	[dreg:$0xa] =	wrdreg s7;
	s7 =	sadd.s32 s3, s20  }
0x1b: {  	s14 =	sadd.s32 $0x1E000, s0;
	s20 =	simm.s32 $0x7900;
	s0 =	simm.s32 $0xA  }
0x1c: {  	[dreg:$0xc] =	wrdreg s7;
	s7 =	sshrl.u32 s21, $0x3;
	s21 =	simm.s32 $0x1  }
0x1d: {  	s7 =	sadd.s32 s3, s7;
	s3 =	sadd.s32 s22, s3;
	s22 =	simm.s32 $0x5  }
0x1e: {  	[dreg:$0xe] =	wrdreg s7;
	s3 =	sadd.s32 s24, s3;
	s24 =	simm.s32 $0x7980  }
0x1f: {  	s7 =	simm.s32 $0x0;
	[dreg:$0x5] =	wrdreg s3;
	s3 =	simm.s32 $0x4  }
.LBB2_1:
0x20: {  	s8 =	simm.s32 @!p0 $0x1C0D;
	s9 =	rddreg [dreg:$0x6]  }
0x21: {  	[spmem:s15], [sflag:s8] =	dma.local @!p0 [hbm:s9], $0x1200  }
0x22: {  	s8 =	simm.s32 @!p0 $0xD  }
0x23: {  	_ =	swait.ge @!p0 [sflag:s8], $0x1200  }
0x24: {  	[sflag:s8] =	ssyncset.done @!p0 $0x0  }
0x25: {  	[sflag:s8] =	ssyncadd.s32 @!p0 $0xFFFFEE00  }
0x26: {  	[bflag:$0x0] =	sbarrier.arrive $0xFFFF  }
0x27: {  	s9 =	rddreg [dreg:$0x7]  }
0x28: {  	[tilespmem:s2], [sflag:$0x1] =	stream.linear.gather [hbm4b:s9+s2], $0x2800, $0x38;
	[tilespmem:$0xAB00] =	vst v63  }
0x29: {  	s10 =	rddreg [dreg:$0x8]  }
0x2a: {  	[tilespmem:s16], [sflag:$0x5] =	stream.linear.gather [hbm4b:s10+s2], $0x50, $0x38;
	[tilespmem:$0xAB00] =	vst v63  }
0x2b: {  	s11 =	rddreg [dreg:$0x9]  }
0x2c: {  	[tilespmem:s17], [sflag:$0x2] =	stream.linear.gather [hbm4b:s11+s2], $0x2800, $0x38;
	[tilespmem:$0xAB00] =	vst v63  }
0x2d: {  	s12 =	rddreg [dreg:$0xa]  }
0x2e: {  	[tilespmem:s18], [sflag:$0x6] =	stream.linear.gather [hbm4b:s12+s2], $0x50, $0x38;
	[tilespmem:$0xAB00] =	vst v63  }
0x2f: {  	s9 =	rddreg [dreg:$0xb]  }
0x30: {  	[tilespmem:s19], [sflag:$0x3] =	stream.linear.gather [hbm4b:s9+s2], $0x2800, $0x38;
	[tilespmem:$0xAB00] =	vst v63  }
0x31: {  	s10 =	rddreg [dreg:$0xc]  }
0x32: {  	[tilespmem:s20], [sflag:$0x7] =	stream.linear.gather [hbm4b:s10+s2], $0x50, $0x38;
	[tilespmem:$0xAB00] =	vst v63  }
0x33: {  	_ =	swait.ge [sflag:s21], $0x2800  }
0x34: {  	[sflag:s21] =	ssyncset.done $0x0  }
0x35: {  	[sflag:s21] =	ssyncadd.s32 $0xFFFFD800  }
0x36: {  	_ =	swait.ge [sflag:s22], $0x50  }
0x37: {  	p2 =	por $0x1, $0x1;
	[sflag:s22] =	ssyncset.done $0x0  }
0x38: {  	s8 =	simm.s32 @!p2 $0xC;
	[sflag:s22] =	ssyncadd.s32 $0xFFFFFFB0  }
0x39: {  	[spmem:s1] =	stream.indirect.scatter.add.f32 [tilespmem:s2], [sflag:$0x9], $0x80, s16, s23, $0xb8;
	[tilespmem:$0xAB00] =	vst v63  }
0x3a: {  	_ =	swait.ge @!p2 [sflag:s8], $0x2800  }
0x3b: {  	[sflag:s8] =	ssyncset.done @!p2 $0x0;
	s11 =	rddreg [dreg:$0x5]  }
0x3c: {  	[sflag:s8] =	ssyncadd.s32 @!p2 $0xFFFFD800;
	s8 =	sadd.s32 $0x0, s11  }
0x3d: {  	[tilespmem:s24], [sflag:$0x4] =	stream.linear.gather [hbm4b:s14+s2], $0x2800, $0x38;
	[tilespmem:$0xAB00] =	vst v63  }
0x3e: {  	s9 =	sadd.s32 $0x3C0, s8  }
0x3f: {  	[tilespmem:s25], [sflag:$0x8] =	stream.linear.gather [hbm4b:s9+s2], $0x50, $0x38;
	[tilespmem:$0xAB00] =	vst v63  }
0x40: {  	_ =	swait.ge [sflag:s26], $0x2800  }
0x41: {  	[sflag:s26] =	ssyncset.done $0x0  }
0x42: {  	[sflag:s26] =	ssyncadd.s32 $0xFFFFD800  }
0x43: {  	_ =	swait.ge [sflag:s28], $0x50  }
0x44: {  	[sflag:s28] =	ssyncset.done $0x0  }
0x45: {  	[sflag:s28] =	ssyncadd.s32 $0xFFFFFFB0  }
0x46: {  	[spmem:s1] =	stream.indirect.scatter.add.f32 [tilespmem:s17], [sflag:$0xA], $0x80, s18, s23, $0xb8;
	[tilespmem:$0xAB00] =	vst v63  }
0x47: {  	_ =	swait.ge [sflag:s29], $0x2800  }
0x48: {  	[sflag:s29] =	ssyncset.done $0x0  }
0x49: {  	s12 =	sadd.s32 $0xA000, s14;
	[sflag:s29] =	ssyncadd.s32 $0xFFFFD800  }
0x4a: {  	[tilespmem:s2], [sflag:$0x1] =	stream.linear.gather [hbm4b:s12+s2], $0x2800, $0x38;
	[tilespmem:$0xAB00] =	vst v63  }
0x4b: {  	s10 =	sadd.s32 $0x500, s8  }
0x4c: {  	[tilespmem:s16], [sflag:$0x5] =	stream.linear.gather [hbm4b:s10+s2], $0x50, $0x38;
	[tilespmem:$0xAB00] =	vst v63  }
0x4d: {  	_ =	swait.ge [sflag:s30], $0x2800  }
0x4e: {  	[sflag:s30] =	ssyncset.done $0x0  }
0x4f: {  	[sflag:s30] =	ssyncadd.s32 $0xFFFFD800  }
0x50: {  	_ =	swait.ge [sflag:s31], $0x50  }
0x51: {  	[sflag:s31] =	ssyncset.done $0x0  }
0x52: {  	[sflag:s31] =	ssyncadd.s32 $0xFFFFFFB0  }
0x53: {  	[spmem:s1] =	stream.indirect.scatter.add.f32 [tilespmem:s19], [sflag:$0xB], $0x80, s20, s23, $0xb8;
	[tilespmem:$0xAB00] =	vst v63  }
0x54: {  	_ =	swait.ge [sflag:s0], $0x2800  }
0x55: {  	[sflag:s0] =	ssyncset.done $0x0  }
0x56: {  	s11 =	sadd.s32 $0x14000, s14;
	[sflag:s0] =	ssyncadd.s32 $0xFFFFD800  }
0x57: {  	[tilespmem:s17], [sflag:$0x2] =	stream.linear.gather [hbm4b:s11+s2], $0x2800, $0x38;
	[tilespmem:$0xAB00] =	vst v63  }
0x58: {  	s12 =	sadd.s32 $0x640, s8  }
0x59: {  	[tilespmem:s18], [sflag:$0x6] =	stream.linear.gather [hbm4b:s12+s2], $0x50, $0x38;
	[tilespmem:$0xAB00] =	vst v63  }
0x5a: {  	_ =	swait.ge [sflag:s3], $0x2800  }
0x5b: {  	[sflag:s3] =	ssyncset.done $0x0  }
0x5c: {  	[sflag:s3] =	ssyncadd.s32 $0xFFFFD800  }
0x5d: {  	_ =	swait.ge [sflag:s4], $0x50  }
0x5e: {  	[sflag:s4] =	ssyncset.done $0x0  }
0x5f: {  	[sflag:s4] =	ssyncadd.s32 $0xFFFFFFB0  }
0x60: {  	[spmem:s1] =	stream.indirect.scatter.add.f32 [tilespmem:s24], [sflag:$0xC], $0x80, s25, s23, $0xb8;
	[tilespmem:$0xAB00] =	vst v63  }
0x61: {  	_ =	swait.ge [sflag:s5], $0x2800  }
0x62: {  	s9 =	simm.s32 $0x500;
	[sflag:s5] =	ssyncset.done $0x0  }
0x63: {  	s10 =	sadd.s32 $0x28000, s14;
	s11 =	sadd.s32 $0x1E000, s14;
	[sflag:s5] =	ssyncadd.s32 $0xFFFFD800  }
.LBB2_2:
0x64: {  	[tilespmem:s19], [sflag:$0x3] =	stream.linear.gather [hbm4b:s11+s2], $0x2800, $0x38;
	[tilespmem:$0xAB00] =	vst v63  }
0x65: {  	s8 =	sadd.s32 $0x780, s8  }
0x66: {  	[tilespmem:s20], [sflag:$0x7] =	stream.linear.gather [hbm4b:s8+s2], $0x50, $0x38;
	[tilespmem:$0xAB00] =	vst v63  }
0x67: {  	_ =	swait.ge [sflag:s21], $0x2800  }
0x68: {  	[sflag:s21] =	ssyncset.done $0x0  }
0x69: {  	[sflag:s21] =	ssyncadd.s32 $0xFFFFD800  }
0x6a: {  	s11 =	smov.u32 s9;
	_ =	swait.ge [sflag:s22], $0x50  }
0x6b: {  	p3 =	seq.s32 s11, $0x0;
	[sflag:s22] =	ssyncset.done $0x0  }
0x6c: {  	s8 =	simm.s32 @!p3 $0xC;
	[sflag:s22] =	ssyncadd.s32 $0xFFFFFFB0  }
0x6d: {  	[spmem:s1] =	stream.indirect.scatter.add.f32 [tilespmem:s2], [sflag:$0x9], $0x80, s16, s23, $0xb8;
	[tilespmem:$0xAB00] =	vst v63  }
0x6e: {  	_ =	swait.ge @!p3 [sflag:s8], $0x2800  }
0x6f: {  	[sflag:s8] =	ssyncset.done @!p3 $0x0;
	s12 =	rddreg [dreg:$0x5]  }
0x70: {  	[sflag:s8] =	ssyncadd.s32 @!p3 $0xFFFFD800;
	s8 =	sadd.s32 s11, s12  }
0x71: {  	[tilespmem:s24], [sflag:$0x4] =	stream.linear.gather [hbm4b:s10+s2], $0x2800, $0x38;
	[tilespmem:$0xAB00] =	vst v63  }
0x72: {  	s11 =	sadd.s32 $0x3C0, s8  }
0x73: {  	[tilespmem:s25], [sflag:$0x8] =	stream.linear.gather [hbm4b:s11+s2], $0x50, $0x38;
	[tilespmem:$0xAB00] =	vst v63  }
0x74: {  	_ =	swait.ge [sflag:s26], $0x2800  }
0x75: {  	[sflag:s26] =	ssyncset.done $0x0  }
0x76: {  	[sflag:s26] =	ssyncadd.s32 $0xFFFFD800  }
0x77: {  	_ =	swait.ge [sflag:s28], $0x50  }
0x78: {  	[sflag:s28] =	ssyncset.done $0x0  }
0x79: {  	[sflag:s28] =	ssyncadd.s32 $0xFFFFFFB0  }
0x7a: {  	[spmem:s1] =	stream.indirect.scatter.add.f32 [tilespmem:s17], [sflag:$0xA], $0x80, s18, s23, $0xb8;
	[tilespmem:$0xAB00] =	vst v63  }
0x7b: {  	_ =	swait.ge [sflag:s29], $0x2800  }
0x7c: {  	[sflag:s29] =	ssyncset.done $0x0  }
0x7d: {  	s12 =	sadd.s32 $0xA000, s10;
	[sflag:s29] =	ssyncadd.s32 $0xFFFFD800  }
0x7e: {  	[tilespmem:s2], [sflag:$0x1] =	stream.linear.gather [hbm4b:s12+s2], $0x2800, $0x38;
	[tilespmem:$0xAB00] =	vst v63  }
0x7f: {  	s12 =	sadd.s32 $0x500, s8  }
0x80: {  	[tilespmem:s16], [sflag:$0x5] =	stream.linear.gather [hbm4b:s12+s2], $0x50, $0x38;
	[tilespmem:$0xAB00] =	vst v63  }
0x81: {  	_ =	swait.ge [sflag:s30], $0x2800  }
0x82: {  	[sflag:s30] =	ssyncset.done $0x0  }
0x83: {  	[sflag:s30] =	ssyncadd.s32 $0xFFFFD800  }
0x84: {  	_ =	swait.ge [sflag:s31], $0x50  }
0x85: {  	[sflag:s31] =	ssyncset.done $0x0  }
0x86: {  	[sflag:s31] =	ssyncadd.s32 $0xFFFFFFB0  }
0x87: {  	[spmem:s1] =	stream.indirect.scatter.add.f32 [tilespmem:s19], [sflag:$0xB], $0x80, s20, s23, $0xb8;
	[tilespmem:$0xAB00] =	vst v63  }
0x88: {  	_ =	swait.ge [sflag:s0], $0x2800  }
0x89: {  	[sflag:s0] =	ssyncset.done $0x0  }
0x8a: {  	s12 =	sadd.s32 $0x14000, s10;
	[sflag:s0] =	ssyncadd.s32 $0xFFFFD800  }
0x8b: {  	[tilespmem:s17], [sflag:$0x2] =	stream.linear.gather [hbm4b:s12+s2], $0x2800, $0x38;
	[tilespmem:$0xAB00] =	vst v63  }
0x8c: {  	s12 =	sadd.s32 $0x640, s8  }
0x8d: {  	[tilespmem:s18], [sflag:$0x6] =	stream.linear.gather [hbm4b:s12+s2], $0x50, $0x38;
	[tilespmem:$0xAB00] =	vst v63  }
0x8e: {  	_ =	swait.ge [sflag:s3], $0x2800  }
0x8f: {  	[sflag:s3] =	ssyncset.done $0x0  }
0x90: {  	[sflag:s3] =	ssyncadd.s32 $0xFFFFD800  }
0x91: {  	s9 =	sadd.s32 $0x500, s9;
	_ =	swait.ge [sflag:s4], $0x50  }
0x92: {  	p2 =	sne.s32 s9, $0x2D00;
	[sflag:s4] =	ssyncset.done $0x0  }
.Ltmp0:
0x93: {  	[sflag:s4] =	ssyncadd.s32 $0xFFFFFFB0;
	(pc) =	sbr.rel @p2 .LBB2_2-.Ltmp0, $4  }
0x94: {  	[spmem:s1] =	stream.indirect.scatter.add.f32 [tilespmem:s24], [sflag:$0xC], $0x80, s25, s23, $0xb8;
	[tilespmem:$0xAB00] =	vst v63  }
0x95: {  	_ =	swait.ge [sflag:s5], $0x2800  }
0x96: {  	[sflag:s5] =	ssyncset.done $0x0  }
0x97: {  	s11 =	sadd.s32 $0x1E000, s10;
	s10 =	sadd.s32 $0x28000, s10;
	[sflag:s5] =	ssyncadd.s32 $0xFFFFD800  }
0x98: {  	[tilespmem:s19], [sflag:$0x3] =	stream.linear.gather [hbm4b:s11+s2], $0x2800, $0x38;
	[tilespmem:$0xAB00] =	vst v63  }
0x99: {  	s8 =	sadd.s32 $0x780, s8  }
0x9a: {  	[tilespmem:s20], [sflag:$0x7] =	stream.linear.gather [hbm4b:s8+s2], $0x50, $0x38;
	[tilespmem:$0xAB00] =	vst v63  }
0x9b: {  	_ =	swait.ge [sflag:s21], $0x2800  }
0x9c: {  	[sflag:s21] =	ssyncset.done $0x0  }
0x9d: {  	[sflag:s21] =	ssyncadd.s32 $0xFFFFD800  }
0x9e: {  	_ =	swait.ge [sflag:s22], $0x50  }
0x9f: {  	[sflag:s22] =	ssyncset.done $0x0  }
0xa0: {  	[sflag:s22] =	ssyncadd.s32 $0xFFFFFFB0  }
0xa1: {  	[spmem:s1] =	stream.indirect.scatter.add.f32 [tilespmem:s2], [sflag:$0x9], $0x80, s16, s23, $0xb8;
	[tilespmem:$0xAB00] =	vst v63  }
0xa2: {  	_ =	swait.ge [sflag:s6], $0x2800  }
0xa3: {  	[sflag:s6] =	ssyncset.done $0x0  }
0xa4: {  	[sflag:s6] =	ssyncadd.s32 $0xFFFFD800  }
0xa5: {  	_ =	swait.ge [sflag:s26], $0x2800  }
0xa6: {  	[sflag:s26] =	ssyncset.done $0x0  }
0xa7: {  	[sflag:s26] =	ssyncadd.s32 $0xFFFFD800  }
0xa8: {  	_ =	swait.ge [sflag:s28], $0x50  }
0xa9: {  	[sflag:s28] =	ssyncset.done $0x0  }
0xaa: {  	[sflag:s28] =	ssyncadd.s32 $0xFFFFFFB0  }
0xab: {  	[spmem:s1] =	stream.indirect.scatter.add.f32 [tilespmem:s17], [sflag:$0xA], $0x80, s18, s23, $0xb8;
	[tilespmem:$0xAB00] =	vst v63  }
0xac: {  	_ =	swait.ge [sflag:s29], $0x2800  }
0xad: {  	[sflag:s29] =	ssyncset.done $0x0  }
0xae: {  	[sflag:s29] =	ssyncadd.s32 $0xFFFFD800  }
0xaf: {  	_ =	swait.ge [sflag:s30], $0x2800  }
0xb0: {  	[sflag:s30] =	ssyncset.done $0x0  }
0xb1: {  	[sflag:s30] =	ssyncadd.s32 $0xFFFFD800  }
0xb2: {  	_ =	swait.ge [sflag:s31], $0x50  }
0xb3: {  	[sflag:s31] =	ssyncset.done $0x0  }
0xb4: {  	[sflag:s31] =	ssyncadd.s32 $0xFFFFFFB0  }
0xb5: {  	[spmem:s1] =	stream.indirect.scatter.add.f32 [tilespmem:s19], [sflag:$0xB], $0x80, s20, s23, $0xb8;
	[tilespmem:$0xAB00] =	vst v63  }
0xb6: {  	_ =	swait.ge [sflag:s0], $0x2800  }
0xb7: {  	[sflag:s0] =	ssyncset.done $0x0  }
0xb8: {  	[sflag:s0] =	ssyncadd.s32 $0xFFFFD800  }
0xb9: {  	_ =	swait.ge [sflag:s5], $0x2800  }
0xba: {  	[sflag:s5] =	ssyncset.done $0x0  }
0xbb: {  	s8 =	simm.s32 @p1 $0x0;
	s9 =	rddreg [dreg:$0xd];
	[sflag:s5] =	ssyncadd.s32 $0xFFFFD800  }
0xbc: {  	[tilespmem:s8], [sflag:$0xD] =	stream.linear.gather @p1 [hbm4b:s9+s8], $0x2800, $0x38;
	[tilespmem:$0xAB00] =	vst v63  }
0xbd: {  	s9 =	simm.s32 @p1 $0xD  }
0xbe: {  	_ =	swait.ge @p1 [sflag:s9], $0x2800  }
0xbf: {  	[sflag:s9] =	ssyncset.done @p1 $0x0  }
0xc0: {  	s10 =	simm.s32 @p1 $0x2800;
	s11 =	rddreg [dreg:$0xe];
	[sflag:s9] =	ssyncadd.s32 @p1 $0xFFFFD800  }
0xc1: {  	[tilespmem:s10], [sflag:$0xD] =	stream.linear.gather @p1 [hbm4b:s11+s8], $0x50, $0x38;
	[tilespmem:$0xAB00] =	vst v63  }
0xc2: {  	_ =	swait.ge @p1 [sflag:s9], $0x50  }
0xc3: {  	[sflag:s9] =	ssyncset.done @p1 $0x0  }
0xc4: {  	s11 =	simm.s32 @p1 $0x50;
	[sflag:s9] =	ssyncadd.s32 @p1 $0xFFFFFFB0  }
0xc5: {  	[spmem:s1] =	stream.indirect.scatter.add.f32 @p1 [tilespmem:s8], [sflag:$0xD], $0x80, s10, s11, $0xb8;
	[tilespmem:$0xAB00] =	vst v63  }
0xc6: {  	_ =	swait.ge @p1 [sflag:s9], $0x2800  }
0xc7: {  	[sflag:s9] =	ssyncset.done @p1 $0x0  }
0xc8: {  	s7 =	sadd.s32 $0x1, s7;
	[sflag:s9] =	ssyncadd.s32 @p1 $0xFFFFD800  }
0xc9: {  	p2 =	sne.s32 s7, s13;
	[bflag:$0x0] =	sbarrier.arrive @p1 $0xFFFF  }
0xca: {  	s8 =	sshrl.u32 @p1 s1, $0x3;
	s10 =	simm.s32 @p1 $0x1C0D;
	s11 =	rddreg [dreg:$0xf]  }
0xcb: {  	[hbm:s11], [sflag:s10] =	dma.local @p1 [spmem:s8], $0x1200  }
.Ltmp1:
0xcc: {  	_ =	swait.ge @p1 [sflag:s9], $0x1200;
	(pc) =	sbr.rel @p2 .LBB2_1-.Ltmp1, $3  }
0xcd: {  	[sflag:s9] =	ssyncset.done @p1 $0x0  }
0xce: {  	[sflag:s9] =	ssyncadd.s32 @p1 $0xFFFFEE00  }
0xcf: {  	[bflag:$0x0] =	sbarrier.arrive @!p1 $0xFFFF;
	_ =	sdelay $0x1  }
0xd0: {  	_ =	sfence.sel $0x180000  }
0xd1: {  	[bflag:$0x0] =	sbarrier.arrive $0xFFFF  }
0xd2: {  	_ =	strace $0x90000047  }
0xd3: {  	[bflag:$0x2] =	sbarrier.arrive $0xFFFF  }
0xd4: {  	s0 =	rddreg [dreg:$0x4]  }
0xd5: {  	s0 =	sadd.s32 @!p0 $0x100000, s0  }
0xd6: {  	[sflag:s0] =	ssyncadd.tile.s32 @!p0 $0x1;
	_ =	shalt  }
.Lfunc_end2:
_tile_overlayer_lowered:
.L_overlay_start_2:
0xd7: {  	(tag) =	ssettag $0x2  }
0xd8: {  	s0 =	rddreg [dreg:$0x0];
	s2 =	stileid.u32  }
0xd9: {  	s1 =	rddreg [dreg:$0x1];
	p0 =	sne.s32 s2, $0x0  }
0xda: {  	s3 =	rddreg [dreg:$0x2];
	[bflag:$0x3] =	sbarrier.arrive $0xFFFF;
	s2 =	simm.s32 @!p0 $0x1C0D  }
0xdb: {  	[timem:s3], [sflag:s2] =	dma.local @!p0 [hbm:s0], s1  }
0xdc: {  	s0 =	simm.s32 @!p0 $0xD  }
0xdd: {  	_ =	swait.ge @!p0 [sflag:s0], s1  }
0xde: {  	s1 =	ssub.s32 @!p0 $0x0, s1;
	[sflag:s0] =	ssyncset.done @!p0 $0x0  }
0xdf: {  	[sflag:s0] =	ssyncadd.s32 @!p0 s1  }
0xe0: {  	[bflag:$0x3] =	sbarrier.arrive $0xFFFF  }
0xe1: {  	_ =	shalt  }

</sc_bundles>
